<compile_context>
chip_gen: v7x
topology: tpu7x:2x2x1
jax: 0.10.2.dev20260603
libtpu: 0.0.44.dev20260713+nightly
codegen_flags: <defaults>
</compile_context>

<pallas_src>
import functools

import jax
import jax.numpy as jnp
from jax import lax
from jax.experimental import pallas as pl
from jax.experimental.pallas import tpu as pltpu
from jax.experimental.pallas import tpu_sc as plsc

N_NODES = 10000
D_FEAT = 128
N_EDGES = 320000

NUM_CORES = 2
NUM_SUBCORES = 16
NUM_WORKERS = NUM_CORES * NUM_SUBCORES

CHUNK = 88
SEG = 8
NSEG = 15
CHUNKS_PER_TILE = SEG * NSEG
EDGES_PER_TILE = CHUNK * CHUNKS_PER_TILE
PAD_EDGES = NUM_WORKERS * EDGES_PER_TILE - N_EDGES

ACC_ROWS = 10120
ZCHUNK = 88
N_ZCHUNKS = ACC_ROWS // ZCHUNK
WCHUNK = 80
N_WCHUNKS = N_NODES // WCHUNK


def _sc_kernel_body(src_hbm, dst_hbm, x_hbm, part_hbm,
                    acc, srcv, dstv, b0, b1, b2, b3,
                    g0, g1, g2, g3, s0, s1, s2, s3, isem, w0, w1):
    c = lax.axis_index("c")
    s = lax.axis_index("s")
    wid = c * NUM_SUBCORES + s
    bufs = (b0, b1, b2, b3)
    gsems = (g0, g1, g2, g3)
    ssems = (s0, s1, s2, s3)
    wsems = (w0, w1)

    def zero_row(r, _):
        for k in range(D_FEAT // 16):
            b0[r, pl.ds(k * 16, 16)] = jnp.zeros((16,), jnp.float32)
        return _
    lax.fori_loop(0, ZCHUNK, zero_row, None)

    for k in range((N_ZCHUNKS + NUM_SUBCORES - 1) // NUM_SUBCORES):
        j = s + k * NUM_SUBCORES

        @pl.when(j < N_ZCHUNKS)
        def _():
            pltpu.sync_copy(b0, acc.at[pl.ds(j * ZCHUNK, ZCHUNK)])

    pltpu.sync_copy(src_hbm.at[wid, pl.ds(0, SEG)], srcv.at[pl.ds(0, SEG)])
    pltpu.sync_copy(dst_hbm.at[wid, pl.ds(0, SEG)], dstv.at[pl.ds(0, SEG)])

    plsc.subcore_barrier()

    def start_gather(idx_row, buf, sem):
        pltpu.async_copy(x_hbm.at[idx_row], buf, sem)

    def wait_gather(idx_row, buf, sem):
        pltpu.make_async_copy(x_hbm.at[idx_row], buf, sem).wait()

    def start_scatter(idx_row, buf, sem):
        pltpu.async_copy(buf, acc.at[idx_row], sem, add=True)

    def wait_scatter(idx_row, buf, sem):
        pltpu.make_async_copy(buf, acc.at[idx_row], sem).wait()

    start_gather(srcv.at[0], b0, g0)
    start_gather(srcv.at[1], b1, g1)

    def seg_body(sg, _):
        b = lax.rem(sg, 2) * SEG
        nb = lax.rem(sg + 1, 2) * SEG

        for k in range(SEG):
            m = k % 4
            wait_gather(srcv.at[b + k], bufs[m], gsems[m])
            start_scatter(dstv.at[b + k], bufs[m], ssems[m])
            m2 = (k + 2) % 4
            if k >= 2:
                wait_scatter(dstv.at[b + k - 2], bufs[m2], ssems[m2])
            else:
                @pl.when(sg >= 1)
                def _():
                    wait_scatter(dstv.at[b + k], bufs[m2], ssems[m2])
            if k == 1:
                @pl.when(sg + 1 < NSEG)
                def _():
                    pltpu.async_copy(
                        src_hbm.at[wid, pl.ds((sg + 1) * SEG, SEG)],
                        srcv.at[pl.ds(nb, SEG)], isem)
                    pltpu.async_copy(
                        dst_hbm.at[wid, pl.ds((sg + 1) * SEG, SEG)],
                        dstv.at[pl.ds(nb, SEG)], isem)
            if k < SEG - 2:
                start_gather(srcv.at[b + k + 2], bufs[m2], gsems[m2])
            else:
                @pl.when(sg + 1 < NSEG)
                def _():
                    if k == SEG - 2:
                        pltpu.make_async_copy(
                            src_hbm.at[wid, pl.ds((sg + 1) * SEG, SEG)],
                            srcv.at[pl.ds(nb, SEG)], isem).wait()
                        pltpu.make_async_copy(
                            dst_hbm.at[wid, pl.ds((sg + 1) * SEG, SEG)],
                            dstv.at[pl.ds(nb, SEG)], isem).wait()
                    start_gather(srcv.at[nb + k - (SEG - 2)], bufs[m2],
                                 gsems[m2])
        return _
    lax.fori_loop(0, NSEG, seg_body, None)

    wait_scatter(dstv.at[SEG + 6], b2, s2)
    wait_scatter(dstv.at[SEG + 7], b3, s3)

    plsc.subcore_barrier()

    for k in range((N_WCHUNKS + NUM_SUBCORES - 1) // NUM_SUBCORES):
        j = s + k * NUM_SUBCORES
        buf, sem = (b0, w0) if k % 2 == 0 else (b1, w1)

        @pl.when(j < N_WCHUNKS)
        def _():
            if k >= 2:
                pltpu.make_async_copy(
                    buf.at[pl.ds(0, WCHUNK)],
                    part_hbm.at[c, pl.ds(j * WCHUNK, WCHUNK)], sem).wait()
            pltpu.sync_copy(acc.at[pl.ds(j * WCHUNK, WCHUNK)],
                            buf.at[pl.ds(0, WCHUNK)])
            pltpu.async_copy(buf.at[pl.ds(0, WCHUNK)],
                             part_hbm.at[c, pl.ds(j * WCHUNK, WCHUNK)], sem)

    for sem, buf in ((w0, b0), (w1, b1)):
        pltpu.make_async_copy(
            buf.at[pl.ds(0, WCHUNK)],
            part_hbm.at[c, pl.ds(0, WCHUNK)], sem).wait()


_sc_scatter_gather = functools.partial(
    pl.kernel,
    out_type=jax.ShapeDtypeStruct((NUM_CORES, N_NODES, D_FEAT), jnp.float32),
    mesh=plsc.VectorSubcoreMesh(core_axis_name="c", subcore_axis_name="s"),
    scratch_types=[
        pltpu.VMEM_SHARED((ACC_ROWS, D_FEAT), jnp.float32),
        pltpu.VMEM((2 * SEG, CHUNK), jnp.int32),
        pltpu.VMEM((2 * SEG, CHUNK), jnp.int32),
        pltpu.VMEM((CHUNK, D_FEAT), jnp.float32),
        pltpu.VMEM((CHUNK, D_FEAT), jnp.float32),
        pltpu.VMEM((CHUNK, D_FEAT), jnp.float32),
        pltpu.VMEM((CHUNK, D_FEAT), jnp.float32),
    ] + [pltpu.SemaphoreType.DMA] * 11,
)(_sc_kernel_body)


def _add_body(a_ref, b_ref, o_ref):
    o_ref[...] = a_ref[0] + b_ref[0]


def _combine(partials):
    rows_per_blk = N_NODES // 2
    return pl.pallas_call(
        _add_body,
        out_shape=jax.ShapeDtypeStruct((N_NODES, D_FEAT), jnp.float32),
        grid=(2,),
        in_specs=[
            pl.BlockSpec((1, rows_per_blk, D_FEAT), lambda i: (0, i, 0)),
            pl.BlockSpec((1, rows_per_blk, D_FEAT), lambda i: (1, i, 0)),
        ],
        out_specs=pl.BlockSpec((rows_per_blk, D_FEAT), lambda i: (i, 0)),
    )(partials, partials)


def kernel(x, edge_index):
    src = edge_index[0].astype(jnp.int32)
    dst = edge_index[1].astype(jnp.int32)
    pad_per_tile = PAD_EDGES // NUM_WORKERS
    real_per_tile = N_EDGES // NUM_WORKERS
    lane = jnp.arange(pad_per_tile, dtype=jnp.int32)
    pad_src = jnp.broadcast_to(lane % N_NODES, (NUM_WORKERS, pad_per_tile))
    pad_dst = jnp.broadcast_to(
        N_NODES + lane % (ACC_ROWS - N_NODES), (NUM_WORKERS, pad_per_tile))
    src = jnp.concatenate(
        [src.reshape(NUM_WORKERS, real_per_tile), pad_src], axis=1)
    dst = jnp.concatenate(
        [dst.reshape(NUM_WORKERS, real_per_tile), pad_dst], axis=1)
    src = src.reshape(NUM_WORKERS, CHUNKS_PER_TILE, CHUNK)
    dst = dst.reshape(NUM_WORKERS, CHUNKS_PER_TILE, CHUNK)
    partials = _sc_scatter_gather(src, dst, x)
    return _combine(partials)

# --- scband reference (transcript-rebuilt; emitter-appended) ---
"""Pipeline reference for scband-my-message-passing-7069516169579 (READ-ONLY COPY).

The authoritative reference and input builder live on the scoring server;
editing this copy changes nothing except your own understanding.
"""

import jax, jax.numpy as jnp
import numpy as np

N_NODES = 10000
N_EDGES = 320000
D_FEAT = 128

def setup_inputs(seed: int = 0) -> dict:
    key = jax.random.key(seed)
    k1, k2 = jax.random.split(key)
    x = jax.random.normal(k1, (N_NODES, D_FEAT), dtype=jnp.float32)
    edge_index = jax.random.randint(k2, (2, N_EDGES), 0, N_NODES, dtype=jnp.int64 if jax.config.jax_enable_x64 else jnp.int32)
    return {"x": x, "edge_index": edge_index}

def reference(x, edge_index):
    # MyMessagePassing with aggr='add', flow='source_to_target', node_dim=0:
    # i=1 (target), j=0 (source). message(x_j) = x_j (identity),
    # aggregation = scatter_add over target indices, update = identity.
    src = edge_index[0]
    dst = edge_index[1]
    msgs = jnp.take(x, src, axis=0)                     # gather: x_j per edge
    out = jax.ops.segment_sum(msgs, dst, num_segments=x.shape[0])  # scatter-add to targets
    return out

if __name__ == "__main__":
    import jax
    _d = setup_inputs()
    print(jax.jit(kernel)(*tuple(_d.values())))

</pallas_src>

<mosaic_0001>
#map = affine_map<(d0, d1) -> (0, 0, 0)>
#map1 = affine_map<(d0, d1) -> (0, 0)>
module attributes {stable_mosaic.version = 14 : i64} {
  func.func @_sc_kernel_body(%arg0: i32, %arg1: i32, %arg2: memref<32x120x88xi32, #tpu.memory_space<hbm>>, %arg3: memref<32x120x88xi32, #tpu.memory_space<hbm>>, %arg4: memref<10000x128xf32, #tpu.memory_space<hbm>>, %arg5: memref<2x10000x128xf32, #tpu.memory_space<hbm>>, %arg6: memref<10120x128xf32, #tpu.memory_space<vmem_shared>>, %arg7: memref<16x88xi32, #tpu.memory_space<vmem>>, %arg8: memref<16x88xi32, #tpu.memory_space<vmem>>, %arg9: memref<88x128xf32, #tpu.memory_space<vmem>>, %arg10: memref<88x128xf32, #tpu.memory_space<vmem>>, %arg11: memref<88x128xf32, #tpu.memory_space<vmem>>, %arg12: memref<88x128xf32, #tpu.memory_space<vmem>>, %arg13: memref<!tpu.dma_semaphore, #tpu.memory_space<semaphore_mem>>, %arg14: memref<!tpu.dma_semaphore, #tpu.memory_space<semaphore_mem>>, %arg15: memref<!tpu.dma_semaphore, #tpu.memory_space<semaphore_mem>>, %arg16: memref<!tpu.dma_semaphore, #tpu.memory_space<semaphore_mem>>, %arg17: memref<!tpu.dma_semaphore, #tpu.memory_space<semaphore_mem>>, %arg18: memref<!tpu.dma_semaphore, #tpu.memory_space<semaphore_mem>>, %arg19: memref<!tpu.dma_semaphore, #tpu.memory_space<semaphore_mem>>, %arg20: memref<!tpu.dma_semaphore, #tpu.memory_space<semaphore_mem>>, %arg21: memref<!tpu.dma_semaphore, #tpu.memory_space<semaphore_mem>>, %arg22: memref<!tpu.dma_semaphore, #tpu.memory_space<semaphore_mem>>, %arg23: memref<!tpu.dma_semaphore, #tpu.memory_space<semaphore_mem>>) attributes {dimension_semantics = [#tpu.dimension_semantics<core_parallel>, #tpu.dimension_semantics<subcore_parallel>], iteration_bounds = array<i64: 2, 16>, scalar_prefetch = 0 : i64, scratch_operands = 18 : i64, tpu.core_type = #tpu.core_type<sc_vector_subcore>, window_params = [{transform_indices = #map}, {transform_indices = #map}, {transform_indices = #map1}, {transform_indices = #map}]} {
    %mul3A = arith.constant 16 : i32
    %mul3A_0 = arith.muli %arg0, %mul3A : i32
    %add3A = arith.addi %mul3A_0, %arg1 : i32
    %scan3A = arith.constant 0 : i32
    %scan3A_1 = arith.constant 88 : i32
    %scan3A_2 = arith.addi %scan3A, %scan3A_1 : i32
    %scan3A_3 = arith.constant 1 : i32
    scf.for %scan3A_174 = %scan3A to %scan3A_2 step %scan3A_3  : i32 {
      %broadcast_in_dim3A = arith.constant 0.000000e+00 : f32
      %broadcast_in_dim3A_175 = vector.broadcast %broadcast_in_dim3A : f32 to vector<16xf32>
      %swap3A = arith.index_cast %scan3A_174 : i32 to index
      %swap3A_176 = arith.constant 0 : index
      %swap3A_177 = tpu.vector_load %arg9[%swap3A, %swap3A_176] {strides = array<i32>} : memref<88x128xf32, #tpu.memory_space<vmem>>, vector<1x16xf32>,
      %swap3A_178 = vector.shape_cast %swap3A_177 : vector<1x16xf32> to vector<16xf32>
      %swap3A_179 = vector.shape_cast %broadcast_in_dim3A_175 : vector<16xf32> to vector<1x16xf32>
      tpu.vector_store %arg9[%swap3A, %swap3A_176], %swap3A_179 {strides = array<i32>} : memref<88x128xf32, #tpu.memory_space<vmem>>, vector<1x16xf32>,
      %broadcast_in_dim3A_180 = arith.constant 0.000000e+00 : f32
      %broadcast_in_dim3A_181 = vector.broadcast %broadcast_in_dim3A_180 : f32 to vector<16xf32>
      %swap3A_182 = arith.index_cast %scan3A_174 : i32 to index
      %swap3A_183 = arith.constant 16 : index
      %swap3A_184 = tpu.vector_load %arg9[%swap3A_182, %swap3A_183] {strides = array<i32>} : memref<88x128xf32, #tpu.memory_space<vmem>>, vector<1x16xf32>,
      %swap3A_185 = vector.shape_cast %swap3A_184 : vector<1x16xf32> to vector<16xf32>
      %swap3A_186 = vector.shape_cast %broadcast_in_dim3A_181 : vector<16xf32> to vector<1x16xf32>
      tpu.vector_store %arg9[%swap3A_182, %swap3A_183], %swap3A_186 {strides = array<i32>} : memref<88x128xf32, #tpu.memory_space<vmem>>, vector<1x16xf32>,
      %broadcast_in_dim3A_187 = arith.constant 0.000000e+00 : f32
      %broadcast_in_dim3A_188 = vector.broadcast %broadcast_in_dim3A_187 : f32 to vector<16xf32>
      %swap3A_189 = arith.index_cast %scan3A_174 : i32 to index
      %swap3A_190 = arith.constant 32 : index
      %swap3A_191 = tpu.vector_load %arg9[%swap3A_189, %swap3A_190] {strides = array<i32>} : memref<88x128xf32, #tpu.memory_space<vmem>>, vector<1x16xf32>,
      %swap3A_192 = vector.shape_cast %swap3A_191 : vector<1x16xf32> to vector<16xf32>
      %swap3A_193 = vector.shape_cast %broadcast_in_dim3A_188 : vector<16xf32> to vector<1x16xf32>
      tpu.vector_store %arg9[%swap3A_189, %swap3A_190], %swap3A_193 {strides = array<i32>} : memref<88x128xf32, #tpu.memory_space<vmem>>, vector<1x16xf32>,
      %broadcast_in_dim3A_194 = arith.constant 0.000000e+00 : f32
      %broadcast_in_dim3A_195 = vector.broadcast %broadcast_in_dim3A_194 : f32 to vector<16xf32>
      %swap3A_196 = arith.index_cast %scan3A_174 : i32 to index
      %swap3A_197 = arith.constant 48 : index
      %swap3A_198 = tpu.vector_load %arg9[%swap3A_196, %swap3A_197] {strides = array<i32>} : memref<88x128xf32, #tpu.memory_space<vmem>>, vector<1x16xf32>,
      %swap3A_199 = vector.shape_cast %swap3A_198 : vector<1x16xf32> to vector<16xf32>
      %swap3A_200 = vector.shape_cast %broadcast_in_dim3A_195 : vector<16xf32> to vector<1x16xf32>
      tpu.vector_store %arg9[%swap3A_196, %swap3A_197], %swap3A_200 {strides = array<i32>} : memref<88x128xf32, #tpu.memory_space<vmem>>, vector<1x16xf32>,
      %broadcast_in_dim3A_201 = arith.constant 0.000000e+00 : f32
      %broadcast_in_dim3A_202 = vector.broadcast %broadcast_in_dim3A_201 : f32 to vector<16xf32>
      %swap3A_203 = arith.index_cast %scan3A_174 : i32 to index
      %swap3A_204 = arith.constant 64 : index
      %swap3A_205 = tpu.vector_load %arg9[%swap3A_203, %swap3A_204] {strides = array<i32>} : memref<88x128xf32, #tpu.memory_space<vmem>>, vector<1x16xf32>,
      %swap3A_206 = vector.shape_cast %swap3A_205 : vector<1x16xf32> to vector<16xf32>
      %swap3A_207 = vector.shape_cast %broadcast_in_dim3A_202 : vector<16xf32> to vector<1x16xf32>
      tpu.vector_store %arg9[%swap3A_203, %swap3A_204], %swap3A_207 {strides = array<i32>} : memref<88x128xf32, #tpu.memory_space<vmem>>, vector<1x16xf32>,
      %broadcast_in_dim3A_208 = arith.constant 0.000000e+00 : f32
      %broadcast_in_dim3A_209 = vector.broadcast %broadcast_in_dim3A_208 : f32 to vector<16xf32>
      %swap3A_210 = arith.index_cast %scan3A_174 : i32 to index
      %swap3A_211 = arith.constant 80 : index
      %swap3A_212 = tpu.vector_load %arg9[%swap3A_210, %swap3A_211] {strides = array<i32>} : memref<88x128xf32, #tpu.memory_space<vmem>>, vector<1x16xf32>,
      %swap3A_213 = vector.shape_cast %swap3A_212 : vector<1x16xf32> to vector<16xf32>
      %swap3A_214 = vector.shape_cast %broadcast_in_dim3A_209 : vector<16xf32> to vector<1x16xf32>
      tpu.vector_store %arg9[%swap3A_210, %swap3A_211], %swap3A_214 {strides = array<i32>} : memref<88x128xf32, #tpu.memory_space<vmem>>, vector<1x16xf32>,
      %broadcast_in_dim3A_215 = arith.constant 0.000000e+00 : f32
      %broadcast_in_dim3A_216 = vector.broadcast %broadcast_in_dim3A_215 : f32 to vector<16xf32>
      %swap3A_217 = arith.index_cast %scan3A_174 : i32 to index
      %swap3A_218 = arith.constant 96 : index
      %swap3A_219 = tpu.vector_load %arg9[%swap3A_217, %swap3A_218] {strides = array<i32>} : memref<88x128xf32, #tpu.memory_space<vmem>>, vector<1x16xf32>,
      %swap3A_220 = vector.shape_cast %swap3A_219 : vector<1x16xf32> to vector<16xf32>
      %swap3A_221 = vector.shape_cast %broadcast_in_dim3A_216 : vector<16xf32> to vector<1x16xf32>
      tpu.vector_store %arg9[%swap3A_217, %swap3A_218], %swap3A_221 {strides = array<i32>} : memref<88x128xf32, #tpu.memory_space<vmem>>, vector<1x16xf32>,
      %broadcast_in_dim3A_222 = arith.constant 0.000000e+00 : f32
      %broadcast_in_dim3A_223 = vector.broadcast %broadcast_in_dim3A_222 : f32 to vector<16xf32>
      %swap3A_224 = arith.index_cast %scan3A_174 : i32 to index
      %swap3A_225 = arith.constant 112 : index
      %swap3A_226 = tpu.vector_load %arg9[%swap3A_224, %swap3A_225] {strides = array<i32>} : memref<88x128xf32, #tpu.memory_space<vmem>>, vector<1x16xf32>,
      %swap3A_227 = vector.shape_cast %swap3A_226 : vector<1x16xf32> to vector<16xf32>
      %swap3A_228 = vector.shape_cast %broadcast_in_dim3A_223 : vector<16xf32> to vector<1x16xf32>
      tpu.vector_store %arg9[%swap3A_224, %swap3A_225], %swap3A_228 {strides = array<i32>} : memref<88x128xf32, #tpu.memory_space<vmem>>, vector<1x16xf32>,
    }
    %scan3A_4 = arith.constant 88 : i32
    %add3A_5 = arith.constant 0 : i32
    %add3A_6 = arith.addi %arg1, %add3A_5 : i32
    %lt3A = arith.constant 115 : i32
    %lt3A_7 = arith.cmpi slt, %add3A_6, %lt3A : i32
    %convert_element_type3A = arith.extui %lt3A_7 : i1 to i32
    %cond3A = arith.constant 0 : i32
    %cond3A_8 = arith.cmpi ne, %convert_element_type3A, %cond3A : i32
    scf.if %cond3A_8 {
      %mul3A_174 = arith.constant 88 : i32
      %mul3A_175 = arith.muli %add3A_6, %mul3A_174 : i32
      "tpu.region"() ({
        %run_scoped3A = tpu.sem_alloc : memref<!tpu.dma_semaphore, #tpu.memory_space<semaphore_mem>>
        %dma_start3A_176 = arith.constant 0 : i32
        %dma_start3A_177 = tpu.memref_slice %arg6[%mul3A_175, %dma_start3A_176] : memref<10120x128xf32, #tpu.memory_space<vmem_shared>> -> memref<88x128xf32, #tpu.memory_space<vmem_shared>>
        %dma_start3A_178 = arith.constant 0 : i32
        %dma_start3A_179 = tpu.memref_slice %arg6[%mul3A_175, %dma_start3A_178] : memref<10120x128xf32, #tpu.memory_space<vmem_shared>> -> memref<88x128xf32, #tpu.memory_space<vmem_shared>>
        tpu.enqueue_dma source(%arg9 : memref<88x128xf32, #tpu.memory_space<vmem>>) target(%dma_start3A_179 : memref<88x128xf32, #tpu.memory_space<vmem_shared>>) target_semaphore(%run_scoped3A : memref<!tpu.dma_semaphore, #tpu.memory_space<semaphore_mem>>)
        %dma_wait3A_180 = arith.constant 0 : i32
        %dma_wait3A_181 = tpu.memref_slice %arg6[%mul3A_175, %dma_wait3A_180] : memref<10120x128xf32, #tpu.memory_space<vmem_shared>> -> memref<88x128xf32, #tpu.memory_space<vmem_shared>>
        %dma_wait3A_182 = arith.constant 0 : i32
        %dma_wait3A_183 = tpu.memref_slice %arg6[%mul3A_175, %dma_wait3A_182] : memref<10120x128xf32, #tpu.memory_space<vmem_shared>> -> memref<88x128xf32, #tpu.memory_space<vmem_shared>>
        tpu.wait_dma2 semaphore(%run_scoped3A : memref<!tpu.dma_semaphore, #tpu.memory_space<semaphore_mem>>) src(%arg9 : memref<88x128xf32, #tpu.memory_space<vmem>>) dst(%dma_wait3A_183 : memref<88x128xf32, #tpu.memory_space<vmem_shared>>)
        tpu.yield
      }) : () -> ()
    } else {
    }
    %add3A_9 = arith.constant 16 : i32
    %add3A_10 = arith.addi %arg1, %add3A_9 : i32
    %lt3A_11 = arith.constant 115 : i32
    %lt3A_12 = arith.cmpi slt, %add3A_10, %lt3A_11 : i32
    %convert_element_type3A_13 = arith.extui %lt3A_12 : i1 to i32
    %cond3A_14 = arith.constant 0 : i32
    %cond3A_15 = arith.cmpi ne, %convert_element_type3A_13, %cond3A_14 : i32
    scf.if %cond3A_15 {
      %mul3A_174 = arith.constant 88 : i32
      %mul3A_175 = arith.muli %add3A_10, %mul3A_174 : i32
      "tpu.region"() ({
        %run_scoped3A = tpu.sem_alloc : memref<!tpu.dma_semaphore, #tpu.memory_space<semaphore_mem>>
        %dma_start3A_176 = arith.constant 0 : i32
        %dma_start3A_177 = tpu.memref_slice %arg6[%mul3A_175, %dma_start3A_176] : memref<10120x128xf32, #tpu.memory_space<vmem_shared>> -> memref<88x128xf32, #tpu.memory_space<vmem_shared>>
        %dma_start3A_178 = arith.constant 0 : i32
        %dma_start3A_179 = tpu.memref_slice %arg6[%mul3A_175, %dma_start3A_178] : memref<10120x128xf32, #tpu.memory_space<vmem_shared>> -> memref<88x128xf32, #tpu.memory_space<vmem_shared>>
        tpu.enqueue_dma source(%arg9 : memref<88x128xf32, #tpu.memory_space<vmem>>) target(%dma_start3A_179 : memref<88x128xf32, #tpu.memory_space<vmem_shared>>) target_semaphore(%run_scoped3A : memref<!tpu.dma_semaphore, #tpu.memory_space<semaphore_mem>>)
        %dma_wait3A_180 = arith.constant 0 : i32
        %dma_wait3A_181 = tpu.memref_slice %arg6[%mul3A_175, %dma_wait3A_180] : memref<10120x128xf32, #tpu.memory_space<vmem_shared>> -> memref<88x128xf32, #tpu.memory_space<vmem_shared>>
        %dma_wait3A_182 = arith.constant 0 : i32
        %dma_wait3A_183 = tpu.memref_slice %arg6[%mul3A_175, %dma_wait3A_182] : memref<10120x128xf32, #tpu.memory_space<vmem_shared>> -> memref<88x128xf32, #tpu.memory_space<vmem_shared>>
        tpu.wait_dma2 semaphore(%run_scoped3A : memref<!tpu.dma_semaphore, #tpu.memory_space<semaphore_mem>>) src(%arg9 : memref<88x128xf32, #tpu.memory_space<vmem>>) dst(%dma_wait3A_183 : memref<88x128xf32, #tpu.memory_space<vmem_shared>>)
        tpu.yield
      }) : () -> ()
    } else {
    }
    %add3A_16 = arith.constant 32 : i32
    %add3A_17 = arith.addi %arg1, %add3A_16 : i32
    %lt3A_18 = arith.constant 115 : i32
    %lt3A_19 = arith.cmpi slt, %add3A_17, %lt3A_18 : i32
    %convert_element_type3A_20 = arith.extui %lt3A_19 : i1 to i32
    %cond3A_21 = arith.constant 0 : i32
    %cond3A_22 = arith.cmpi ne, %convert_element_type3A_20, %cond3A_21 : i32
    scf.if %cond3A_22 {
      %mul3A_174 = arith.constant 88 : i32
      %mul3A_175 = arith.muli %add3A_17, %mul3A_174 : i32
      "tpu.region"() ({
        %run_scoped3A = tpu.sem_alloc : memref<!tpu.dma_semaphore, #tpu.memory_space<semaphore_mem>>
        %dma_start3A_176 = arith.constant 0 : i32
        %dma_start3A_177 = tpu.memref_slice %arg6[%mul3A_175, %dma_start3A_176] : memref<10120x128xf32, #tpu.memory_space<vmem_shared>> -> memref<88x128xf32, #tpu.memory_space<vmem_shared>>
        %dma_start3A_178 = arith.constant 0 : i32
        %dma_start3A_179 = tpu.memref_slice %arg6[%mul3A_175, %dma_start3A_178] : memref<10120x128xf32, #tpu.memory_space<vmem_shared>> -> memref<88x128xf32, #tpu.memory_space<vmem_shared>>
        tpu.enqueue_dma source(%arg9 : memref<88x128xf32, #tpu.memory_space<vmem>>) target(%dma_start3A_179 : memref<88x128xf32, #tpu.memory_space<vmem_shared>>) target_semaphore(%run_scoped3A : memref<!tpu.dma_semaphore, #tpu.memory_space<semaphore_mem>>)
        %dma_wait3A_180 = arith.constant 0 : i32
        %dma_wait3A_181 = tpu.memref_slice %arg6[%mul3A_175, %dma_wait3A_180] : memref<10120x128xf32, #tpu.memory_space<vmem_shared>> -> memref<88x128xf32, #tpu.memory_space<vmem_shared>>
        %dma_wait3A_182 = arith.constant 0 : i32
        %dma_wait3A_183 = tpu.memref_slice %arg6[%mul3A_175, %dma_wait3A_182] : memref<10120x128xf32, #tpu.memory_space<vmem_shared>> -> memref<88x128xf32, #tpu.memory_space<vmem_shared>>
        tpu.wait_dma2 semaphore(%run_scoped3A : memref<!tpu.dma_semaphore, #tpu.memory_space<semaphore_mem>>) src(%arg9 : memref<88x128xf32, #tpu.memory_space<vmem>>) dst(%dma_wait3A_183 : memref<88x128xf32, #tpu.memory_space<vmem_shared>>)
        tpu.yield
      }) : () -> ()
    } else {
    }
    %add3A_23 = arith.constant 48 : i32
    %add3A_24 = arith.addi %arg1, %add3A_23 : i32
    %lt3A_25 = arith.constant 115 : i32
    %lt3A_26 = arith.cmpi slt, %add3A_24, %lt3A_25 : i32
    %convert_element_type3A_27 = arith.extui %lt3A_26 : i1 to i32
    %cond3A_28 = arith.constant 0 : i32
    %cond3A_29 = arith.cmpi ne, %convert_element_type3A_27, %cond3A_28 : i32
    scf.if %cond3A_29 {
      %mul3A_174 = arith.constant 88 : i32
      %mul3A_175 = arith.muli %add3A_24, %mul3A_174 : i32
      "tpu.region"() ({
        %run_scoped3A = tpu.sem_alloc : memref<!tpu.dma_semaphore, #tpu.memory_space<semaphore_mem>>
        %dma_start3A_176 = arith.constant 0 : i32
        %dma_start3A_177 = tpu.memref_slice %arg6[%mul3A_175, %dma_start3A_176] : memref<10120x128xf32, #tpu.memory_space<vmem_shared>> -> memref<88x128xf32, #tpu.memory_space<vmem_shared>>
        %dma_start3A_178 = arith.constant 0 : i32
        %dma_start3A_179 = tpu.memref_slice %arg6[%mul3A_175, %dma_start3A_178] : memref<10120x128xf32, #tpu.memory_space<vmem_shared>> -> memref<88x128xf32, #tpu.memory_space<vmem_shared>>
        tpu.enqueue_dma source(%arg9 : memref<88x128xf32, #tpu.memory_space<vmem>>) target(%dma_start3A_179 : memref<88x128xf32, #tpu.memory_space<vmem_shared>>) target_semaphore(%run_scoped3A : memref<!tpu.dma_semaphore, #tpu.memory_space<semaphore_mem>>)
        %dma_wait3A_180 = arith.constant 0 : i32
        %dma_wait3A_181 = tpu.memref_slice %arg6[%mul3A_175, %dma_wait3A_180] : memref<10120x128xf32, #tpu.memory_space<vmem_shared>> -> memref<88x128xf32, #tpu.memory_space<vmem_shared>>
        %dma_wait3A_182 = arith.constant 0 : i32
        %dma_wait3A_183 = tpu.memref_slice %arg6[%mul3A_175, %dma_wait3A_182] : memref<10120x128xf32, #tpu.memory_space<vmem_shared>> -> memref<88x128xf32, #tpu.memory_space<vmem_shared>>
        tpu.wait_dma2 semaphore(%run_scoped3A : memref<!tpu.dma_semaphore, #tpu.memory_space<semaphore_mem>>) src(%arg9 : memref<88x128xf32, #tpu.memory_space<vmem>>) dst(%dma_wait3A_183 : memref<88x128xf32, #tpu.memory_space<vmem_shared>>)
        tpu.yield
      }) : () -> ()
    } else {
    }
    %add3A_30 = arith.constant 64 : i32
    %add3A_31 = arith.addi %arg1, %add3A_30 : i32
    %lt3A_32 = arith.constant 115 : i32
    %lt3A_33 = arith.cmpi slt, %add3A_31, %lt3A_32 : i32
    %convert_element_type3A_34 = arith.extui %lt3A_33 : i1 to i32
    %cond3A_35 = arith.constant 0 : i32
    %cond3A_36 = arith.cmpi ne, %convert_element_type3A_34, %cond3A_35 : i32
    scf.if %cond3A_36 {
      %mul3A_174 = arith.constant 88 : i32
      %mul3A_175 = arith.muli %add3A_31, %mul3A_174 : i32
      "tpu.region"() ({
        %run_scoped3A = tpu.sem_alloc : memref<!tpu.dma_semaphore, #tpu.memory_space<semaphore_mem>>
        %dma_start3A_176 = arith.constant 0 : i32
        %dma_start3A_177 = tpu.memref_slice %arg6[%mul3A_175, %dma_start3A_176] : memref<10120x128xf32, #tpu.memory_space<vmem_shared>> -> memref<88x128xf32, #tpu.memory_space<vmem_shared>>
        %dma_start3A_178 = arith.constant 0 : i32
        %dma_start3A_179 = tpu.memref_slice %arg6[%mul3A_175, %dma_start3A_178] : memref<10120x128xf32, #tpu.memory_space<vmem_shared>> -> memref<88x128xf32, #tpu.memory_space<vmem_shared>>
        tpu.enqueue_dma source(%arg9 : memref<88x128xf32, #tpu.memory_space<vmem>>) target(%dma_start3A_179 : memref<88x128xf32, #tpu.memory_space<vmem_shared>>) target_semaphore(%run_scoped3A : memref<!tpu.dma_semaphore, #tpu.memory_space<semaphore_mem>>)
        %dma_wait3A_180 = arith.constant 0 : i32
        %dma_wait3A_181 = tpu.memref_slice %arg6[%mul3A_175, %dma_wait3A_180] : memref<10120x128xf32, #tpu.memory_space<vmem_shared>> -> memref<88x128xf32, #tpu.memory_space<vmem_shared>>
        %dma_wait3A_182 = arith.constant 0 : i32
        %dma_wait3A_183 = tpu.memref_slice %arg6[%mul3A_175, %dma_wait3A_182] : memref<10120x128xf32, #tpu.memory_space<vmem_shared>> -> memref<88x128xf32, #tpu.memory_space<vmem_shared>>
        tpu.wait_dma2 semaphore(%run_scoped3A : memref<!tpu.dma_semaphore, #tpu.memory_space<semaphore_mem>>) src(%arg9 : memref<88x128xf32, #tpu.memory_space<vmem>>) dst(%dma_wait3A_183 : memref<88x128xf32, #tpu.memory_space<vmem_shared>>)
        tpu.yield
      }) : () -> ()
    } else {
    }
    %add3A_37 = arith.constant 80 : i32
    %add3A_38 = arith.addi %arg1, %add3A_37 : i32
    %lt3A_39 = arith.constant 115 : i32
    %lt3A_40 = arith.cmpi slt, %add3A_38, %lt3A_39 : i32
    %convert_element_type3A_41 = arith.extui %lt3A_40 : i1 to i32
    %cond3A_42 = arith.constant 0 : i32
    %cond3A_43 = arith.cmpi ne, %convert_element_type3A_41, %cond3A_42 : i32
    scf.if %cond3A_43 {
      %mul3A_174 = arith.constant 88 : i32
      %mul3A_175 = arith.muli %add3A_38, %mul3A_174 : i32
      "tpu.region"() ({
        %run_scoped3A = tpu.sem_alloc : memref<!tpu.dma_semaphore, #tpu.memory_space<semaphore_mem>>
        %dma_start3A_176 = arith.constant 0 : i32
        %dma_start3A_177 = tpu.memref_slice %arg6[%mul3A_175, %dma_start3A_176] : memref<10120x128xf32, #tpu.memory_space<vmem_shared>> -> memref<88x128xf32, #tpu.memory_space<vmem_shared>>
        %dma_start3A_178 = arith.constant 0 : i32
        %dma_start3A_179 = tpu.memref_slice %arg6[%mul3A_175, %dma_start3A_178] : memref<10120x128xf32, #tpu.memory_space<vmem_shared>> -> memref<88x128xf32, #tpu.memory_space<vmem_shared>>
        tpu.enqueue_dma source(%arg9 : memref<88x128xf32, #tpu.memory_space<vmem>>) target(%dma_start3A_179 : memref<88x128xf32, #tpu.memory_space<vmem_shared>>) target_semaphore(%run_scoped3A : memref<!tpu.dma_semaphore, #tpu.memory_space<semaphore_mem>>)
        %dma_wait3A_180 = arith.constant 0 : i32
        %dma_wait3A_181 = tpu.memref_slice %arg6[%mul3A_175, %dma_wait3A_180] : memref<10120x128xf32, #tpu.memory_space<vmem_shared>> -> memref<88x128xf32, #tpu.memory_space<vmem_shared>>
        %dma_wait3A_182 = arith.constant 0 : i32
        %dma_wait3A_183 = tpu.memref_slice %arg6[%mul3A_175, %dma_wait3A_182] : memref<10120x128xf32, #tpu.memory_space<vmem_shared>> -> memref<88x128xf32, #tpu.memory_space<vmem_shared>>
        tpu.wait_dma2 semaphore(%run_scoped3A : memref<!tpu.dma_semaphore, #tpu.memory_space<semaphore_mem>>) src(%arg9 : memref<88x128xf32, #tpu.memory_space<vmem>>) dst(%dma_wait3A_183 : memref<88x128xf32, #tpu.memory_space<vmem_shared>>)
        tpu.yield
      }) : () -> ()
    } else {
    }
    %add3A_44 = arith.constant 96 : i32
    %add3A_45 = arith.addi %arg1, %add3A_44 : i32
    %lt3A_46 = arith.constant 115 : i32
    %lt3A_47 = arith.cmpi slt, %add3A_45, %lt3A_46 : i32
    %convert_element_type3A_48 = arith.extui %lt3A_47 : i1 to i32
    %cond3A_49 = arith.constant 0 : i32
    %cond3A_50 = arith.cmpi ne, %convert_element_type3A_48, %cond3A_49 : i32
    scf.if %cond3A_50 {
      %mul3A_174 = arith.constant 88 : i32
      %mul3A_175 = arith.muli %add3A_45, %mul3A_174 : i32
      "tpu.region"() ({
        %run_scoped3A = tpu.sem_alloc : memref<!tpu.dma_semaphore, #tpu.memory_space<semaphore_mem>>
        %dma_start3A_176 = arith.constant 0 : i32
        %dma_start3A_177 = tpu.memref_slice %arg6[%mul3A_175, %dma_start3A_176] : memref<10120x128xf32, #tpu.memory_space<vmem_shared>> -> memref<88x128xf32, #tpu.memory_space<vmem_shared>>
        %dma_start3A_178 = arith.constant 0 : i32
        %dma_start3A_179 = tpu.memref_slice %arg6[%mul3A_175, %dma_start3A_178] : memref<10120x128xf32, #tpu.memory_space<vmem_shared>> -> memref<88x128xf32, #tpu.memory_space<vmem_shared>>
        tpu.enqueue_dma source(%arg9 : memref<88x128xf32, #tpu.memory_space<vmem>>) target(%dma_start3A_179 : memref<88x128xf32, #tpu.memory_space<vmem_shared>>) target_semaphore(%run_scoped3A : memref<!tpu.dma_semaphore, #tpu.memory_space<semaphore_mem>>)
        %dma_wait3A_180 = arith.constant 0 : i32
        %dma_wait3A_181 = tpu.memref_slice %arg6[%mul3A_175, %dma_wait3A_180] : memref<10120x128xf32, #tpu.memory_space<vmem_shared>> -> memref<88x128xf32, #tpu.memory_space<vmem_shared>>
        %dma_wait3A_182 = arith.constant 0 : i32
        %dma_wait3A_183 = tpu.memref_slice %arg6[%mul3A_175, %dma_wait3A_182] : memref<10120x128xf32, #tpu.memory_space<vmem_shared>> -> memref<88x128xf32, #tpu.memory_space<vmem_shared>>
        tpu.wait_dma2 semaphore(%run_scoped3A : memref<!tpu.dma_semaphore, #tpu.memory_space<semaphore_mem>>) src(%arg9 : memref<88x128xf32, #tpu.memory_space<vmem>>) dst(%dma_wait3A_183 : memref<88x128xf32, #tpu.memory_space<vmem_shared>>)
        tpu.yield
      }) : () -> ()
    } else {
    }
    %add3A_51 = arith.constant 112 : i32
    %add3A_52 = arith.addi %arg1, %add3A_51 : i32
    %lt3A_53 = arith.constant 115 : i32
    %lt3A_54 = arith.cmpi slt, %add3A_52, %lt3A_53 : i32
    %convert_element_type3A_55 = arith.extui %lt3A_54 : i1 to i32
    %cond3A_56 = arith.constant 0 : i32
    %cond3A_57 = arith.cmpi ne, %convert_element_type3A_55, %cond3A_56 : i32
    scf.if %cond3A_57 {
      %mul3A_174 = arith.constant 88 : i32
      %mul3A_175 = arith.muli %add3A_52, %mul3A_174 : i32
      "tpu.region"() ({
        %run_scoped3A = tpu.sem_alloc : memref<!tpu.dma_semaphore, #tpu.memory_space<semaphore_mem>>
        %dma_start3A_176 = arith.constant 0 : i32
        %dma_start3A_177 = tpu.memref_slice %arg6[%mul3A_175, %dma_start3A_176] : memref<10120x128xf32, #tpu.memory_space<vmem_shared>> -> memref<88x128xf32, #tpu.memory_space<vmem_shared>>
        %dma_start3A_178 = arith.constant 0 : i32
        %dma_start3A_179 = tpu.memref_slice %arg6[%mul3A_175, %dma_start3A_178] : memref<10120x128xf32, #tpu.memory_space<vmem_shared>> -> memref<88x128xf32, #tpu.memory_space<vmem_shared>>
        tpu.enqueue_dma source(%arg9 : memref<88x128xf32, #tpu.memory_space<vmem>>) target(%dma_start3A_179 : memref<88x128xf32, #tpu.memory_space<vmem_shared>>) target_semaphore(%run_scoped3A : memref<!tpu.dma_semaphore, #tpu.memory_space<semaphore_mem>>)
        %dma_wait3A_180 = arith.constant 0 : i32
        %dma_wait3A_181 = tpu.memref_slice %arg6[%mul3A_175, %dma_wait3A_180] : memref<10120x128xf32, #tpu.memory_space<vmem_shared>> -> memref<88x128xf32, #tpu.memory_space<vmem_shared>>
        %dma_wait3A_182 = arith.constant 0 : i32
        %dma_wait3A_183 = tpu.memref_slice %arg6[%mul3A_175, %dma_wait3A_182] : memref<10120x128xf32, #tpu.memory_space<vmem_shared>> -> memref<88x128xf32, #tpu.memory_space<vmem_shared>>
        tpu.wait_dma2 semaphore(%run_scoped3A : memref<!tpu.dma_semaphore, #tpu.memory_space<semaphore_mem>>) src(%arg9 : memref<88x128xf32, #tpu.memory_space<vmem>>) dst(%dma_wait3A_183 : memref<88x128xf32, #tpu.memory_space<vmem_shared>>)
        tpu.yield
      }) : () -> ()
    } else {
    }
    "tpu.region"() ({
      %run_scoped3A = tpu.sem_alloc : memref<!tpu.dma_semaphore, #tpu.memory_space<semaphore_mem>>
      %dma_start3A_174 = arith.constant 0 : i32
      %dma_start3A_175 = arith.constant 0 : i32
      %dma_start3A_176 = tpu.memref_slice %arg7[%dma_start3A_174, %dma_start3A_175] : memref<16x88xi32, #tpu.memory_space<vmem>> -> memref<8x88xi32, #tpu.memory_space<vmem>>
      %dma_start3A_177 = arith.constant 0 : i32
      %dma_start3A_178 = arith.constant 0 : i32
      %dma_start3A_179 = tpu.memref_slice %arg2[%add3A, %dma_start3A_177, %dma_start3A_178] : memref<32x120x88xi32, #tpu.memory_space<hbm>> -> memref<1x8x88xi32, #tpu.memory_space<hbm>>
      %dma_start3A_180 = tpu.memref_squeeze %dma_start3A_179 : memref<1x8x88xi32, #tpu.memory_space<hbm>> -> memref<8x88xi32, #tpu.memory_space<hbm>>
      %dma_start3A_181 = arith.constant 0 : i32
      %dma_start3A_182 = arith.constant 0 : i32
      %dma_start3A_183 = tpu.memref_slice %arg7[%dma_start3A_181, %dma_start3A_182] : memref<16x88xi32, #tpu.memory_space<vmem>> -> memref<8x88xi32, #tpu.memory_space<vmem>>
      %dma_start3A_184 = arith.constant 0 : i32
      %dma_start3A_185 = arith.constant 0 : i32
      %dma_start3A_186 = tpu.memref_slice %arg2[%add3A, %dma_start3A_184, %dma_start3A_185] : memref<32x120x88xi32, #tpu.memory_space<hbm>> -> memref<1x8x88xi32, #tpu.memory_space<hbm>>
      %dma_start3A_187 = tpu.memref_squeeze %dma_start3A_186 : memref<1x8x88xi32, #tpu.memory_space<hbm>> -> memref<8x88xi32, #tpu.memory_space<hbm>>
      tpu.enqueue_dma source(%dma_start3A_187 : memref<8x88xi32, #tpu.memory_space<hbm>>) target(%dma_start3A_183 : memref<8x88xi32, #tpu.memory_space<vmem>>) target_semaphore(%run_scoped3A : memref<!tpu.dma_semaphore, #tpu.memory_space<semaphore_mem>>)
      %dma_wait3A_188 = arith.constant 0 : i32
      %dma_wait3A_189 = arith.constant 0 : i32
      %dma_wait3A_190 = tpu.memref_slice %arg7[%dma_wait3A_188, %dma_wait3A_189] : memref<16x88xi32, #tpu.memory_space<vmem>> -> memref<8x88xi32, #tpu.memory_space<vmem>>
      %dma_wait3A_191 = arith.constant 0 : i32
      %dma_wait3A_192 = arith.constant 0 : i32
      %dma_wait3A_193 = tpu.memref_slice %arg2[%add3A, %dma_wait3A_191, %dma_wait3A_192] : memref<32x120x88xi32, #tpu.memory_space<hbm>> -> memref<1x8x88xi32, #tpu.memory_space<hbm>>
      %dma_wait3A_194 = tpu.memref_squeeze %dma_wait3A_193 : memref<1x8x88xi32, #tpu.memory_space<hbm>> -> memref<8x88xi32, #tpu.memory_space<hbm>>
      %dma_wait3A_195 = arith.constant 0 : i32
      %dma_wait3A_196 = arith.constant 0 : i32
      %dma_wait3A_197 = tpu.memref_slice %arg7[%dma_wait3A_195, %dma_wait3A_196] : memref<16x88xi32, #tpu.memory_space<vmem>> -> memref<8x88xi32, #tpu.memory_space<vmem>>
      %dma_wait3A_198 = arith.constant 0 : i32
      %dma_wait3A_199 = arith.constant 0 : i32
      %dma_wait3A_200 = tpu.memref_slice %arg2[%add3A, %dma_wait3A_198, %dma_wait3A_199] : memref<32x120x88xi32, #tpu.memory_space<hbm>> -> memref<1x8x88xi32, #tpu.memory_space<hbm>>
      %dma_wait3A_201 = tpu.memref_squeeze %dma_wait3A_200 : memref<1x8x88xi32, #tpu.memory_space<hbm>> -> memref<8x88xi32, #tpu.memory_space<hbm>>
      tpu.wait_dma2 semaphore(%run_scoped3A : memref<!tpu.dma_semaphore, #tpu.memory_space<semaphore_mem>>) src(%dma_wait3A_201 : memref<8x88xi32, #tpu.memory_space<hbm>>) dst(%dma_wait3A_197 : memref<8x88xi32, #tpu.memory_space<vmem>>)
      tpu.yield
    }) : () -> ()
    "tpu.region"() ({
      %run_scoped3A = tpu.sem_alloc : memref<!tpu.dma_semaphore, #tpu.memory_space<semaphore_mem>>
      %dma_start3A_174 = arith.constant 0 : i32
      %dma_start3A_175 = arith.constant 0 : i32
      %dma_start3A_176 = tpu.memref_slice %arg8[%dma_start3A_174, %dma_start3A_175] : memref<16x88xi32, #tpu.memory_space<vmem>> -> memref<8x88xi32, #tpu.memory_space<vmem>>
      %dma_start3A_177 = arith.constant 0 : i32
      %dma_start3A_178 = arith.constant 0 : i32
      %dma_start3A_179 = tpu.memref_slice %arg3[%add3A, %dma_start3A_177, %dma_start3A_178] : memref<32x120x88xi32, #tpu.memory_space<hbm>> -> memref<1x8x88xi32, #tpu.memory_space<hbm>>
      %dma_start3A_180 = tpu.memref_squeeze %dma_start3A_179 : memref<1x8x88xi32, #tpu.memory_space<hbm>> -> memref<8x88xi32, #tpu.memory_space<hbm>>
      %dma_start3A_181 = arith.constant 0 : i32
      %dma_start3A_182 = arith.constant 0 : i32
      %dma_start3A_183 = tpu.memref_slice %arg8[%dma_start3A_181, %dma_start3A_182] : memref<16x88xi32, #tpu.memory_space<vmem>> -> memref<8x88xi32, #tpu.memory_space<vmem>>
      %dma_start3A_184 = arith.constant 0 : i32
      %dma_start3A_185 = arith.constant 0 : i32
      %dma_start3A_186 = tpu.memref_slice %arg3[%add3A, %dma_start3A_184, %dma_start3A_185] : memref<32x120x88xi32, #tpu.memory_space<hbm>> -> memref<1x8x88xi32, #tpu.memory_space<hbm>>
      %dma_start3A_187 = tpu.memref_squeeze %dma_start3A_186 : memref<1x8x88xi32, #tpu.memory_space<hbm>> -> memref<8x88xi32, #tpu.memory_space<hbm>>
      tpu.enqueue_dma source(%dma_start3A_187 : memref<8x88xi32, #tpu.memory_space<hbm>>) target(%dma_start3A_183 : memref<8x88xi32, #tpu.memory_space<vmem>>) target_semaphore(%run_scoped3A : memref<!tpu.dma_semaphore, #tpu.memory_space<semaphore_mem>>)
      %dma_wait3A_188 = arith.constant 0 : i32
      %dma_wait3A_189 = arith.constant 0 : i32
      %dma_wait3A_190 = tpu.memref_slice %arg8[%dma_wait3A_188, %dma_wait3A_189] : memref<16x88xi32, #tpu.memory_space<vmem>> -> memref<8x88xi32, #tpu.memory_space<vmem>>
      %dma_wait3A_191 = arith.constant 0 : i32
      %dma_wait3A_192 = arith.constant 0 : i32
      %dma_wait3A_193 = tpu.memref_slice %arg3[%add3A, %dma_wait3A_191, %dma_wait3A_192] : memref<32x120x88xi32, #tpu.memory_space<hbm>> -> memref<1x8x88xi32, #tpu.memory_space<hbm>>
      %dma_wait3A_194 = tpu.memref_squeeze %dma_wait3A_193 : memref<1x8x88xi32, #tpu.memory_space<hbm>> -> memref<8x88xi32, #tpu.memory_space<hbm>>
      %dma_wait3A_195 = arith.constant 0 : i32
      %dma_wait3A_196 = arith.constant 0 : i32
      %dma_wait3A_197 = tpu.memref_slice %arg8[%dma_wait3A_195, %dma_wait3A_196] : memref<16x88xi32, #tpu.memory_space<vmem>> -> memref<8x88xi32, #tpu.memory_space<vmem>>
      %dma_wait3A_198 = arith.constant 0 : i32
      %dma_wait3A_199 = arith.constant 0 : i32
      %dma_wait3A_200 = tpu.memref_slice %arg3[%add3A, %dma_wait3A_198, %dma_wait3A_199] : memref<32x120x88xi32, #tpu.memory_space<hbm>> -> memref<1x8x88xi32, #tpu.memory_space<hbm>>
      %dma_wait3A_201 = tpu.memref_squeeze %dma_wait3A_200 : memref<1x8x88xi32, #tpu.memory_space<hbm>> -> memref<8x88xi32, #tpu.memory_space<hbm>>
      tpu.wait_dma2 semaphore(%run_scoped3A : memref<!tpu.dma_semaphore, #tpu.memory_space<semaphore_mem>>) src(%dma_wait3A_201 : memref<8x88xi32, #tpu.memory_space<hbm>>) dst(%dma_wait3A_197 : memref<8x88xi32, #tpu.memory_space<vmem>>)
      tpu.yield
    }) : () -> ()
    %barrier3A = arith.constant 0 : index
    tpu.barrier barrier_id(%barrier3A)
    %dma_start3A = arith.constant 0 : i32
    %dma_start3A_58 = arith.constant 0 : i32
    %dma_start3A_59 = tpu.memref_slice %arg7[%dma_start3A, %dma_start3A_58] : memref<16x88xi32, #tpu.memory_space<vmem>> -> memref<1x88xi32, #tpu.memory_space<vmem>>
    %dma_start3A_60 = tpu.memref_squeeze %dma_start3A_59 : memref<1x88xi32, #tpu.memory_space<vmem>> -> memref<88xi32, #tpu.memory_space<vmem>>
    %dma_start3A_61 = arith.constant 0 : i32
    %dma_start3A_62 = arith.constant 0 : i32
    %dma_start3A_63 = tpu.memref_slice %arg4[%dma_start3A_61, %dma_start3A_62] : memref<10000x128xf32, #tpu.memory_space<hbm>> -> memref<10000x128xf32, #tpu.memory_space<hbm>>
    tpu.enqueue_indirect_dma source(%dma_start3A_63 : memref<10000x128xf32, #tpu.memory_space<hbm>>) target(%arg9 : memref<88x128xf32, #tpu.memory_space<vmem>>) offsets(%dma_start3A_60 : memref<88xi32, #tpu.memory_space<vmem>>) semaphore(%arg13 : memref<!tpu.dma_semaphore, #tpu.memory_space<semaphore_mem>>)
    %dma_start3A_64 = arith.constant 1 : i32
    %dma_start3A_65 = arith.constant 0 : i32
    %dma_start3A_66 = tpu.memref_slice %arg7[%dma_start3A_64, %dma_start3A_65] : memref<16x88xi32, #tpu.memory_space<vmem>> -> memref<1x88xi32, #tpu.memory_space<vmem>>
    %dma_start3A_67 = tpu.memref_squeeze %dma_start3A_66 : memref<1x88xi32, #tpu.memory_space<vmem>> -> memref<88xi32, #tpu.memory_space<vmem>>
    %dma_start3A_68 = arith.constant 0 : i32
    %dma_start3A_69 = arith.constant 0 : i32
    %dma_start3A_70 = tpu.memref_slice %arg4[%dma_start3A_68, %dma_start3A_69] : memref<10000x128xf32, #tpu.memory_space<hbm>> -> memref<10000x128xf32, #tpu.memory_space<hbm>>
    tpu.enqueue_indirect_dma source(%dma_start3A_70 : memref<10000x128xf32, #tpu.memory_space<hbm>>) target(%arg10 : memref<88x128xf32, #tpu.memory_space<vmem>>) offsets(%dma_start3A_67 : memref<88xi32, #tpu.memory_space<vmem>>) semaphore(%arg14 : memref<!tpu.dma_semaphore, #tpu.memory_space<semaphore_mem>>)
    %scan3A_71 = arith.constant 0 : i32
    %scan3A_72 = arith.constant 15 : i32
    %scan3A_73 = arith.addi %scan3A_71, %scan3A_72 : i32
    %scan3A_74 = arith.constant 1 : i32
    scf.for %scan3A_174 = %scan3A_71 to %scan3A_73 step %scan3A_74  : i32 {
      %rem3A = arith.constant 2 : i32
      %rem3A_175 = arith.remsi %scan3A_174, %rem3A : i32
      %mul3A_176 = arith.constant 8 : i32
      %mul3A_177 = arith.muli %rem3A_175, %mul3A_176 : i32
      %add3A_178 = arith.constant 1 : i32
      %add3A_179 = arith.addi %scan3A_174, %add3A_178 : i32
      %rem3A_180 = arith.constant 2 : i32
      %rem3A_181 = arith.remsi %add3A_179, %rem3A_180 : i32
      %mul3A_182 = arith.constant 8 : i32
      %mul3A_183 = arith.muli %rem3A_181, %mul3A_182 : i32
      %add3A_184 = arith.constant 0 : i32
      %add3A_185 = arith.addi %mul3A_177, %add3A_184 : i32
      %dma_wait3A_186 = arith.constant 0 : i32
      %dma_wait3A_187 = tpu.memref_slice %arg7[%add3A_185, %dma_wait3A_186] : memref<16x88xi32, #tpu.memory_space<vmem>> -> memref<1x88xi32, #tpu.memory_space<vmem>>
      %dma_wait3A_188 = tpu.memref_squeeze %dma_wait3A_187 : memref<1x88xi32, #tpu.memory_space<vmem>> -> memref<88xi32, #tpu.memory_space<vmem>>
      %dma_wait3A_189 = arith.constant 0 : i32
      %dma_wait3A_190 = arith.constant 0 : i32
      %dma_wait3A_191 = tpu.memref_slice %arg4[%dma_wait3A_189, %dma_wait3A_190] : memref<10000x128xf32, #tpu.memory_space<hbm>> -> memref<10000x128xf32, #tpu.memory_space<hbm>>
      tpu.wait_indirect_dma semaphore(%arg13 : memref<!tpu.dma_semaphore, #tpu.memory_space<semaphore_mem>>) src(%dma_wait3A_191 : memref<10000x128xf32, #tpu.memory_space<hbm>>) dst(%arg9 : memref<88x128xf32, #tpu.memory_space<vmem>>)
      %add3A_192 = arith.constant 0 : i32
      %add3A_193 = arith.addi %mul3A_177, %add3A_192 : i32
      %dma_start3A_194 = arith.constant 0 : i32
      %dma_start3A_195 = tpu.memref_slice %arg8[%add3A_193, %dma_start3A_194] : memref<16x88xi32, #tpu.memory_space<vmem>> -> memref<1x88xi32, #tpu.memory_space<vmem>>
      %dma_start3A_196 = tpu.memref_squeeze %dma_start3A_195 : memref<1x88xi32, #tpu.memory_space<vmem>> -> memref<88xi32, #tpu.memory_space<vmem>>
      %dma_start3A_197 = arith.constant 0 : i32
      %dma_start3A_198 = arith.constant 0 : i32
      %dma_start3A_199 = tpu.memref_slice %arg6[%dma_start3A_197, %dma_start3A_198] : memref<10120x128xf32, #tpu.memory_space<vmem_shared>> -> memref<10120x128xf32, #tpu.memory_space<vmem_shared>>
      tpu.enqueue_indirect_dma source(%arg9 : memref<88x128xf32, #tpu.memory_space<vmem>>) target(%dma_start3A_199 : memref<10120x128xf32, #tpu.memory_space<vmem_shared>>) offsets(%dma_start3A_196 : memref<88xi32, #tpu.memory_space<vmem>>) semaphore(%arg17 : memref<!tpu.dma_semaphore, #tpu.memory_space<semaphore_mem>>) {add = true}
      %ge3A = arith.constant 1 : i32
      %ge3A_200 = arith.cmpi sge, %scan3A_174, %ge3A : i32
      %convert_element_type3A_201 = arith.extui %ge3A_200 : i1 to i32
      %cond3A_202 = arith.constant 0 : i32
      %cond3A_203 = arith.cmpi ne, %convert_element_type3A_201, %cond3A_202 : i32
      scf.if %cond3A_203 {
        %add3A_461 = arith.constant 0 : i32
        %add3A_462 = arith.addi %mul3A_177, %add3A_461 : i32
        %dma_wait3A_463 = arith.constant 0 : i32
        %dma_wait3A_464 = tpu.memref_slice %arg8[%add3A_462, %dma_wait3A_463] : memref<16x88xi32, #tpu.memory_space<vmem>> -> memref<1x88xi32, #tpu.memory_space<vmem>>
        %dma_wait3A_465 = tpu.memref_squeeze %dma_wait3A_464 : memref<1x88xi32, #tpu.memory_space<vmem>> -> memref<88xi32, #tpu.memory_space<vmem>>
        %dma_wait3A_466 = arith.constant 0 : i32
        %dma_wait3A_467 = arith.constant 0 : i32
        %dma_wait3A_468 = tpu.memref_slice %arg6[%dma_wait3A_466, %dma_wait3A_467] : memref<10120x128xf32, #tpu.memory_space<vmem_shared>> -> memref<10120x128xf32, #tpu.memory_space<vmem_shared>>
        tpu.wait_indirect_dma semaphore(%arg19 : memref<!tpu.dma_semaphore, #tpu.memory_space<semaphore_mem>>) src(%arg11 : memref<88x128xf32, #tpu.memory_space<vmem>>) dst(%dma_wait3A_468 : memref<10120x128xf32, #tpu.memory_space<vmem_shared>>)
      } else {
      }
      %add3A_204 = arith.constant 0 : i32
      %add3A_205 = arith.addi %mul3A_177, %add3A_204 : i32
      %add3A_206 = arith.constant 2 : i32
      %add3A_207 = arith.addi %add3A_205, %add3A_206 : i32
      %dma_start3A_208 = arith.constant 0 : i32
      %dma_start3A_209 = tpu.memref_slice %arg7[%add3A_207, %dma_start3A_208] : memref<16x88xi32, #tpu.memory_space<vmem>> -> memref<1x88xi32, #tpu.memory_space<vmem>>
      %dma_start3A_210 = tpu.memref_squeeze %dma_start3A_209 : memref<1x88xi32, #tpu.memory_space<vmem>> -> memref<88xi32, #tpu.memory_space<vmem>>
      %dma_start3A_211 = arith.constant 0 : i32
      %dma_start3A_212 = arith.constant 0 : i32
      %dma_start3A_213 = tpu.memref_slice %arg4[%dma_start3A_211, %dma_start3A_212] : memref<10000x128xf32, #tpu.memory_space<hbm>> -> memref<10000x128xf32, #tpu.memory_space<hbm>>
      tpu.enqueue_indirect_dma source(%dma_start3A_213 : memref<10000x128xf32, #tpu.memory_space<hbm>>) target(%arg11 : memref<88x128xf32, #tpu.memory_space<vmem>>) offsets(%dma_start3A_210 : memref<88xi32, #tpu.memory_space<vmem>>) semaphore(%arg15 : memref<!tpu.dma_semaphore, #tpu.memory_space<semaphore_mem>>)
      %add3A_214 = arith.constant 1 : i32
      %add3A_215 = arith.addi %mul3A_177, %add3A_214 : i32
      %dma_wait3A_216 = arith.constant 0 : i32
      %dma_wait3A_217 = tpu.memref_slice %arg7[%add3A_215, %dma_wait3A_216] : memref<16x88xi32, #tpu.memory_space<vmem>> -> memref<1x88xi32, #tpu.memory_space<vmem>>
      %dma_wait3A_218 = tpu.memref_squeeze %dma_wait3A_217 : memref<1x88xi32, #tpu.memory_space<vmem>> -> memref<88xi32, #tpu.memory_space<vmem>>
      %dma_wait3A_219 = arith.constant 0 : i32
      %dma_wait3A_220 = arith.constant 0 : i32
      %dma_wait3A_221 = tpu.memref_slice %arg4[%dma_wait3A_219, %dma_wait3A_220] : memref<10000x128xf32, #tpu.memory_space<hbm>> -> memref<10000x128xf32, #tpu.memory_space<hbm>>
      tpu.wait_indirect_dma semaphore(%arg14 : memref<!tpu.dma_semaphore, #tpu.memory_space<semaphore_mem>>) src(%dma_wait3A_221 : memref<10000x128xf32, #tpu.memory_space<hbm>>) dst(%arg10 : memref<88x128xf32, #tpu.memory_space<vmem>>)
      %add3A_222 = arith.constant 1 : i32
      %add3A_223 = arith.addi %mul3A_177, %add3A_222 : i32
      %dma_start3A_224 = arith.constant 0 : i32
      %dma_start3A_225 = tpu.memref_slice %arg8[%add3A_223, %dma_start3A_224] : memref<16x88xi32, #tpu.memory_space<vmem>> -> memref<1x88xi32, #tpu.memory_space<vmem>>
      %dma_start3A_226 = tpu.memref_squeeze %dma_start3A_225 : memref<1x88xi32, #tpu.memory_space<vmem>> -> memref<88xi32, #tpu.memory_space<vmem>>
      %dma_start3A_227 = arith.constant 0 : i32
      %dma_start3A_228 = arith.constant 0 : i32
      %dma_start3A_229 = tpu.memref_slice %arg6[%dma_start3A_227, %dma_start3A_228] : memref<10120x128xf32, #tpu.memory_space<vmem_shared>> -> memref<10120x128xf32, #tpu.memory_space<vmem_shared>>
      tpu.enqueue_indirect_dma source(%arg10 : memref<88x128xf32, #tpu.memory_space<vmem>>) target(%dma_start3A_229 : memref<10120x128xf32, #tpu.memory_space<vmem_shared>>) offsets(%dma_start3A_226 : memref<88xi32, #tpu.memory_space<vmem>>) semaphore(%arg18 : memref<!tpu.dma_semaphore, #tpu.memory_space<semaphore_mem>>) {add = true}
      %ge3A_230 = arith.constant 1 : i32
      %ge3A_231 = arith.cmpi sge, %scan3A_174, %ge3A_230 : i32
      %convert_element_type3A_232 = arith.extui %ge3A_231 : i1 to i32
      %cond3A_233 = arith.constant 0 : i32
      %cond3A_234 = arith.cmpi ne, %convert_element_type3A_232, %cond3A_233 : i32
      scf.if %cond3A_234 {
        %add3A_461 = arith.constant 1 : i32
        %add3A_462 = arith.addi %mul3A_177, %add3A_461 : i32
        %dma_wait3A_463 = arith.constant 0 : i32
        %dma_wait3A_464 = tpu.memref_slice %arg8[%add3A_462, %dma_wait3A_463] : memref<16x88xi32, #tpu.memory_space<vmem>> -> memref<1x88xi32, #tpu.memory_space<vmem>>
        %dma_wait3A_465 = tpu.memref_squeeze %dma_wait3A_464 : memref<1x88xi32, #tpu.memory_space<vmem>> -> memref<88xi32, #tpu.memory_space<vmem>>
        %dma_wait3A_466 = arith.constant 0 : i32
        %dma_wait3A_467 = arith.constant 0 : i32
        %dma_wait3A_468 = tpu.memref_slice %arg6[%dma_wait3A_466, %dma_wait3A_467] : memref<10120x128xf32, #tpu.memory_space<vmem_shared>> -> memref<10120x128xf32, #tpu.memory_space<vmem_shared>>
        tpu.wait_indirect_dma semaphore(%arg20 : memref<!tpu.dma_semaphore, #tpu.memory_space<semaphore_mem>>) src(%arg12 : memref<88x128xf32, #tpu.memory_space<vmem>>) dst(%dma_wait3A_468 : memref<10120x128xf32, #tpu.memory_space<vmem_shared>>)
      } else {
      }
      %add3A_235 = arith.constant 1 : i32
      %add3A_236 = arith.addi %scan3A_174, %add3A_235 : i32
      %lt3A_237 = arith.constant 15 : i32
      %lt3A_238 = arith.cmpi slt, %add3A_236, %lt3A_237 : i32
      %convert_element_type3A_239 = arith.extui %lt3A_238 : i1 to i32
      %cond3A_240 = arith.constant 0 : i32
      %cond3A_241 = arith.cmpi ne, %convert_element_type3A_239, %cond3A_240 : i32
      scf.if %cond3A_241 {
        %add3A_461 = arith.constant 1 : i32
        %add3A_462 = arith.addi %scan3A_174, %add3A_461 : i32
        %mul3A_463 = arith.constant 8 : i32
        %mul3A_464 = arith.muli %add3A_462, %mul3A_463 : i32
        %dma_start3A_465 = arith.constant 0 : i32
        %dma_start3A_466 = tpu.memref_slice %arg7[%mul3A_183, %dma_start3A_465] : memref<16x88xi32, #tpu.memory_space<vmem>> -> memref<8x88xi32, #tpu.memory_space<vmem>>
        %dma_start3A_467 = arith.constant 0 : i32
        %dma_start3A_468 = tpu.memref_slice %arg2[%add3A, %mul3A_464, %dma_start3A_467] : memref<32x120x88xi32, #tpu.memory_space<hbm>> -> memref<1x8x88xi32, #tpu.memory_space<hbm>>
        %dma_start3A_469 = tpu.memref_squeeze %dma_start3A_468 : memref<1x8x88xi32, #tpu.memory_space<hbm>> -> memref<8x88xi32, #tpu.memory_space<hbm>>
        %dma_start3A_470 = arith.constant 0 : i32
        %dma_start3A_471 = tpu.memref_slice %arg7[%mul3A_183, %dma_start3A_470] : memref<16x88xi32, #tpu.memory_space<vmem>> -> memref<8x88xi32, #tpu.memory_space<vmem>>
        %dma_start3A_472 = arith.constant 0 : i32
        %dma_start3A_473 = tpu.memref_slice %arg2[%add3A, %mul3A_464, %dma_start3A_472] : memref<32x120x88xi32, #tpu.memory_space<hbm>> -> memref<1x8x88xi32, #tpu.memory_space<hbm>>
        %dma_start3A_474 = tpu.memref_squeeze %dma_start3A_473 : memref<1x8x88xi32, #tpu.memory_space<hbm>> -> memref<8x88xi32, #tpu.memory_space<hbm>>
        tpu.enqueue_dma source(%dma_start3A_474 : memref<8x88xi32, #tpu.memory_space<hbm>>) target(%dma_start3A_471 : memref<8x88xi32, #tpu.memory_space<vmem>>) target_semaphore(%arg21 : memref<!tpu.dma_semaphore, #tpu.memory_space<semaphore_mem>>)
        %add3A_475 = arith.constant 1 : i32
        %add3A_476 = arith.addi %scan3A_174, %add3A_475 : i32
        %mul3A_477 = arith.constant 8 : i32
        %mul3A_478 = arith.muli %add3A_476, %mul3A_477 : i32
        %dma_start3A_479 = arith.constant 0 : i32
        %dma_start3A_480 = tpu.memref_slice %arg8[%mul3A_183, %dma_start3A_479] : memref<16x88xi32, #tpu.memory_space<vmem>> -> memref<8x88xi32, #tpu.memory_space<vmem>>
        %dma_start3A_481 = arith.constant 0 : i32
        %dma_start3A_482 = tpu.memref_slice %arg3[%add3A, %mul3A_478, %dma_start3A_481] : memref<32x120x88xi32, #tpu.memory_space<hbm>> -> memref<1x8x88xi32, #tpu.memory_space<hbm>>
        %dma_start3A_483 = tpu.memref_squeeze %dma_start3A_482 : memref<1x8x88xi32, #tpu.memory_space<hbm>> -> memref<8x88xi32, #tpu.memory_space<hbm>>
        %dma_start3A_484 = arith.constant 0 : i32
        %dma_start3A_485 = tpu.memref_slice %arg8[%mul3A_183, %dma_start3A_484] : memref<16x88xi32, #tpu.memory_space<vmem>> -> memref<8x88xi32, #tpu.memory_space<vmem>>
        %dma_start3A_486 = arith.constant 0 : i32
        %dma_start3A_487 = tpu.memref_slice %arg3[%add3A, %mul3A_478, %dma_start3A_486] : memref<32x120x88xi32, #tpu.memory_space<hbm>> -> memref<1x8x88xi32, #tpu.memory_space<hbm>>
        %dma_start3A_488 = tpu.memref_squeeze %dma_start3A_487 : memref<1x8x88xi32, #tpu.memory_space<hbm>> -> memref<8x88xi32, #tpu.memory_space<hbm>>
        tpu.enqueue_dma source(%dma_start3A_488 : memref<8x88xi32, #tpu.memory_space<hbm>>) target(%dma_start3A_485 : memref<8x88xi32, #tpu.memory_space<vmem>>) target_semaphore(%arg21 : memref<!tpu.dma_semaphore, #tpu.memory_space<semaphore_mem>>)
      } else {
      }
      %add3A_242 = arith.constant 1 : i32
      %add3A_243 = arith.addi %mul3A_177, %add3A_242 : i32
      %add3A_244 = arith.constant 2 : i32
      %add3A_245 = arith.addi %add3A_243, %add3A_244 : i32
      %dma_start3A_246 = arith.constant 0 : i32
      %dma_start3A_247 = tpu.memref_slice %arg7[%add3A_245, %dma_start3A_246] : memref<16x88xi32, #tpu.memory_space<vmem>> -> memref<1x88xi32, #tpu.memory_space<vmem>>
      %dma_start3A_248 = tpu.memref_squeeze %dma_start3A_247 : memref<1x88xi32, #tpu.memory_space<vmem>> -> memref<88xi32, #tpu.memory_space<vmem>>
      %dma_start3A_249 = arith.constant 0 : i32
      %dma_start3A_250 = arith.constant 0 : i32
      %dma_start3A_251 = tpu.memref_slice %arg4[%dma_start3A_249, %dma_start3A_250] : memref<10000x128xf32, #tpu.memory_space<hbm>> -> memref<10000x128xf32, #tpu.memory_space<hbm>>
      tpu.enqueue_indirect_dma source(%dma_start3A_251 : memref<10000x128xf32, #tpu.memory_space<hbm>>) target(%arg12 : memref<88x128xf32, #tpu.memory_space<vmem>>) offsets(%dma_start3A_248 : memref<88xi32, #tpu.memory_space<vmem>>) semaphore(%arg16 : memref<!tpu.dma_semaphore, #tpu.memory_space<semaphore_mem>>)
      %add3A_252 = arith.constant 2 : i32
      %add3A_253 = arith.addi %mul3A_177, %add3A_252 : i32
      %dma_wait3A_254 = arith.constant 0 : i32
      %dma_wait3A_255 = tpu.memref_slice %arg7[%add3A_253, %dma_wait3A_254] : memref<16x88xi32, #tpu.memory_space<vmem>> -> memref<1x88xi32, #tpu.memory_space<vmem>>
      %dma_wait3A_256 = tpu.memref_squeeze %dma_wait3A_255 : memref<1x88xi32, #tpu.memory_space<vmem>> -> memref<88xi32, #tpu.memory_space<vmem>>
      %dma_wait3A_257 = arith.constant 0 : i32
      %dma_wait3A_258 = arith.constant 0 : i32
      %dma_wait3A_259 = tpu.memref_slice %arg4[%dma_wait3A_257, %dma_wait3A_258] : memref<10000x128xf32, #tpu.memory_space<hbm>> -> memref<10000x128xf32, #tpu.memory_space<hbm>>
      tpu.wait_indirect_dma semaphore(%arg15 : memref<!tpu.dma_semaphore, #tpu.memory_space<semaphore_mem>>) src(%dma_wait3A_259 : memref<10000x128xf32, #tpu.memory_space<hbm>>) dst(%arg11 : memref<88x128xf32, #tpu.memory_space<vmem>>)
      %add3A_260 = arith.constant 2 : i32
      %add3A_261 = arith.addi %mul3A_177, %add3A_260 : i32
      %dma_start3A_262 = arith.constant 0 : i32
      %dma_start3A_263 = tpu.memref_slice %arg8[%add3A_261, %dma_start3A_262] : memref<16x88xi32, #tpu.memory_space<vmem>> -> memref<1x88xi32, #tpu.memory_space<vmem>>
      %dma_start3A_264 = tpu.memref_squeeze %dma_start3A_263 : memref<1x88xi32, #tpu.memory_space<vmem>> -> memref<88xi32, #tpu.memory_space<vmem>>
      %dma_start3A_265 = arith.constant 0 : i32
      %dma_start3A_266 = arith.constant 0 : i32
      %dma_start3A_267 = tpu.memref_slice %arg6[%dma_start3A_265, %dma_start3A_266] : memref<10120x128xf32, #tpu.memory_space<vmem_shared>> -> memref<10120x128xf32, #tpu.memory_space<vmem_shared>>
      tpu.enqueue_indirect_dma source(%arg11 : memref<88x128xf32, #tpu.memory_space<vmem>>) target(%dma_start3A_267 : memref<10120x128xf32, #tpu.memory_space<vmem_shared>>) offsets(%dma_start3A_264 : memref<88xi32, #tpu.memory_space<vmem>>) semaphore(%arg19 : memref<!tpu.dma_semaphore, #tpu.memory_space<semaphore_mem>>) {add = true}
      %add3A_268 = arith.constant 2 : i32
      %add3A_269 = arith.addi %mul3A_177, %add3A_268 : i32
      %sub3A = arith.constant 2 : i32
      %sub3A_270 = arith.subi %add3A_269, %sub3A : i32
      %dma_wait3A_271 = arith.constant 0 : i32
      %dma_wait3A_272 = tpu.memref_slice %arg8[%sub3A_270, %dma_wait3A_271] : memref<16x88xi32, #tpu.memory_space<vmem>> -> memref<1x88xi32, #tpu.memory_space<vmem>>
      %dma_wait3A_273 = tpu.memref_squeeze %dma_wait3A_272 : memref<1x88xi32, #tpu.memory_space<vmem>> -> memref<88xi32, #tpu.memory_space<vmem>>
      %dma_wait3A_274 = arith.constant 0 : i32
      %dma_wait3A_275 = arith.constant 0 : i32
      %dma_wait3A_276 = tpu.memref_slice %arg6[%dma_wait3A_274, %dma_wait3A_275] : memref<10120x128xf32, #tpu.memory_space<vmem_shared>> -> memref<10120x128xf32, #tpu.memory_space<vmem_shared>>
      tpu.wait_indirect_dma semaphore(%arg17 : memref<!tpu.dma_semaphore, #tpu.memory_space<semaphore_mem>>) src(%arg9 : memref<88x128xf32, #tpu.memory_space<vmem>>) dst(%dma_wait3A_276 : memref<10120x128xf32, #tpu.memory_space<vmem_shared>>)
      %add3A_277 = arith.constant 2 : i32
      %add3A_278 = arith.addi %mul3A_177, %add3A_277 : i32
      %add3A_279 = arith.constant 2 : i32
      %add3A_280 = arith.addi %add3A_278, %add3A_279 : i32
      %dma_start3A_281 = arith.constant 0 : i32
      %dma_start3A_282 = tpu.memref_slice %arg7[%add3A_280, %dma_start3A_281] : memref<16x88xi32, #tpu.memory_space<vmem>> -> memref<1x88xi32, #tpu.memory_space<vmem>>
      %dma_start3A_283 = tpu.memref_squeeze %dma_start3A_282 : memref<1x88xi32, #tpu.memory_space<vmem>> -> memref<88xi32, #tpu.memory_space<vmem>>
      %dma_start3A_284 = arith.constant 0 : i32
      %dma_start3A_285 = arith.constant 0 : i32
      %dma_start3A_286 = tpu.memref_slice %arg4[%dma_start3A_284, %dma_start3A_285] : memref<10000x128xf32, #tpu.memory_space<hbm>> -> memref<10000x128xf32, #tpu.memory_space<hbm>>
      tpu.enqueue_indirect_dma source(%dma_start3A_286 : memref<10000x128xf32, #tpu.memory_space<hbm>>) target(%arg9 : memref<88x128xf32, #tpu.memory_space<vmem>>) offsets(%dma_start3A_283 : memref<88xi32, #tpu.memory_space<vmem>>) semaphore(%arg13 : memref<!tpu.dma_semaphore, #tpu.memory_space<semaphore_mem>>)
      %add3A_287 = arith.constant 3 : i32
      %add3A_288 = arith.addi %mul3A_177, %add3A_287 : i32
      %dma_wait3A_289 = arith.constant 0 : i32
      %dma_wait3A_290 = tpu.memref_slice %arg7[%add3A_288, %dma_wait3A_289] : memref<16x88xi32, #tpu.memory_space<vmem>> -> memref<1x88xi32, #tpu.memory_space<vmem>>
      %dma_wait3A_291 = tpu.memref_squeeze %dma_wait3A_290 : memref<1x88xi32, #tpu.memory_space<vmem>> -> memref<88xi32, #tpu.memory_space<vmem>>
      %dma_wait3A_292 = arith.constant 0 : i32
      %dma_wait3A_293 = arith.constant 0 : i32
      %dma_wait3A_294 = tpu.memref_slice %arg4[%dma_wait3A_292, %dma_wait3A_293] : memref<10000x128xf32, #tpu.memory_space<hbm>> -> memref<10000x128xf32, #tpu.memory_space<hbm>>
      tpu.wait_indirect_dma semaphore(%arg16 : memref<!tpu.dma_semaphore, #tpu.memory_space<semaphore_mem>>) src(%dma_wait3A_294 : memref<10000x128xf32, #tpu.memory_space<hbm>>) dst(%arg12 : memref<88x128xf32, #tpu.memory_space<vmem>>)
      %add3A_295 = arith.constant 3 : i32
      %add3A_296 = arith.addi %mul3A_177, %add3A_295 : i32
      %dma_start3A_297 = arith.constant 0 : i32
      %dma_start3A_298 = tpu.memref_slice %arg8[%add3A_296, %dma_start3A_297] : memref<16x88xi32, #tpu.memory_space<vmem>> -> memref<1x88xi32, #tpu.memory_space<vmem>>
      %dma_start3A_299 = tpu.memref_squeeze %dma_start3A_298 : memref<1x88xi32, #tpu.memory_space<vmem>> -> memref<88xi32, #tpu.memory_space<vmem>>
      %dma_start3A_300 = arith.constant 0 : i32
      %dma_start3A_301 = arith.constant 0 : i32
      %dma_start3A_302 = tpu.memref_slice %arg6[%dma_start3A_300, %dma_start3A_301] : memref<10120x128xf32, #tpu.memory_space<vmem_shared>> -> memref<10120x128xf32, #tpu.memory_space<vmem_shared>>
      tpu.enqueue_indirect_dma source(%arg12 : memref<88x128xf32, #tpu.memory_space<vmem>>) target(%dma_start3A_302 : memref<10120x128xf32, #tpu.memory_space<vmem_shared>>) offsets(%dma_start3A_299 : memref<88xi32, #tpu.memory_space<vmem>>) semaphore(%arg20 : memref<!tpu.dma_semaphore, #tpu.memory_space<semaphore_mem>>) {add = true}
      %add3A_303 = arith.constant 3 : i32
      %add3A_304 = arith.addi %mul3A_177, %add3A_303 : i32
      %sub3A_305 = arith.constant 2 : i32
      %sub3A_306 = arith.subi %add3A_304, %sub3A_305 : i32
      %dma_wait3A_307 = arith.constant 0 : i32
      %dma_wait3A_308 = tpu.memref_slice %arg8[%sub3A_306, %dma_wait3A_307] : memref<16x88xi32, #tpu.memory_space<vmem>> -> memref<1x88xi32, #tpu.memory_space<vmem>>
      %dma_wait3A_309 = tpu.memref_squeeze %dma_wait3A_308 : memref<1x88xi32, #tpu.memory_space<vmem>> -> memref<88xi32, #tpu.memory_space<vmem>>
      %dma_wait3A_310 = arith.constant 0 : i32
      %dma_wait3A_311 = arith.constant 0 : i32
      %dma_wait3A_312 = tpu.memref_slice %arg6[%dma_wait3A_310, %dma_wait3A_311] : memref<10120x128xf32, #tpu.memory_space<vmem_shared>> -> memref<10120x128xf32, #tpu.memory_space<vmem_shared>>
      tpu.wait_indirect_dma semaphore(%arg18 : memref<!tpu.dma_semaphore, #tpu.memory_space<semaphore_mem>>) src(%arg10 : memref<88x128xf32, #tpu.memory_space<vmem>>) dst(%dma_wait3A_312 : memref<10120x128xf32, #tpu.memory_space<vmem_shared>>)
      %add3A_313 = arith.constant 3 : i32
      %add3A_314 = arith.addi %mul3A_177, %add3A_313 : i32
      %add3A_315 = arith.constant 2 : i32
      %add3A_316 = arith.addi %add3A_314, %add3A_315 : i32
      %dma_start3A_317 = arith.constant 0 : i32
      %dma_start3A_318 = tpu.memref_slice %arg7[%add3A_316, %dma_start3A_317] : memref<16x88xi32, #tpu.memory_space<vmem>> -> memref<1x88xi32, #tpu.memory_space<vmem>>
      %dma_start3A_319 = tpu.memref_squeeze %dma_start3A_318 : memref<1x88xi32, #tpu.memory_space<vmem>> -> memref<88xi32, #tpu.memory_space<vmem>>
      %dma_start3A_320 = arith.constant 0 : i32
      %dma_start3A_321 = arith.constant 0 : i32
      %dma_start3A_322 = tpu.memref_slice %arg4[%dma_start3A_320, %dma_start3A_321] : memref<10000x128xf32, #tpu.memory_space<hbm>> -> memref<10000x128xf32, #tpu.memory_space<hbm>>
      tpu.enqueue_indirect_dma source(%dma_start3A_322 : memref<10000x128xf32, #tpu.memory_space<hbm>>) target(%arg10 : memref<88x128xf32, #tpu.memory_space<vmem>>) offsets(%dma_start3A_319 : memref<88xi32, #tpu.memory_space<vmem>>) semaphore(%arg14 : memref<!tpu.dma_semaphore, #tpu.memory_space<semaphore_mem>>)
      %add3A_323 = arith.constant 4 : i32
      %add3A_324 = arith.addi %mul3A_177, %add3A_323 : i32
      %dma_wait3A_325 = arith.constant 0 : i32
      %dma_wait3A_326 = tpu.memref_slice %arg7[%add3A_324, %dma_wait3A_325] : memref<16x88xi32, #tpu.memory_space<vmem>> -> memref<1x88xi32, #tpu.memory_space<vmem>>
      %dma_wait3A_327 = tpu.memref_squeeze %dma_wait3A_326 : memref<1x88xi32, #tpu.memory_space<vmem>> -> memref<88xi32, #tpu.memory_space<vmem>>
      %dma_wait3A_328 = arith.constant 0 : i32
      %dma_wait3A_329 = arith.constant 0 : i32
      %dma_wait3A_330 = tpu.memref_slice %arg4[%dma_wait3A_328, %dma_wait3A_329] : memref<10000x128xf32, #tpu.memory_space<hbm>> -> memref<10000x128xf32, #tpu.memory_space<hbm>>
      tpu.wait_indirect_dma semaphore(%arg13 : memref<!tpu.dma_semaphore, #tpu.memory_space<semaphore_mem>>) src(%dma_wait3A_330 : memref<10000x128xf32, #tpu.memory_space<hbm>>) dst(%arg9 : memref<88x128xf32, #tpu.memory_space<vmem>>)
      %add3A_331 = arith.constant 4 : i32
      %add3A_332 = arith.addi %mul3A_177, %add3A_331 : i32
      %dma_start3A_333 = arith.constant 0 : i32
      %dma_start3A_334 = tpu.memref_slice %arg8[%add3A_332, %dma_start3A_333] : memref<16x88xi32, #tpu.memory_space<vmem>> -> memref<1x88xi32, #tpu.memory_space<vmem>>
      %dma_start3A_335 = tpu.memref_squeeze %dma_start3A_334 : memref<1x88xi32, #tpu.memory_space<vmem>> -> memref<88xi32, #tpu.memory_space<vmem>>
      %dma_start3A_336 = arith.constant 0 : i32
      %dma_start3A_337 = arith.constant 0 : i32
      %dma_start3A_338 = tpu.memref_slice %arg6[%dma_start3A_336, %dma_start3A_337] : memref<10120x128xf32, #tpu.memory_space<vmem_shared>> -> memref<10120x128xf32, #tpu.memory_space<vmem_shared>>
      tpu.enqueue_indirect_dma source(%arg9 : memref<88x128xf32, #tpu.memory_space<vmem>>) target(%dma_start3A_338 : memref<10120x128xf32, #tpu.memory_space<vmem_shared>>) offsets(%dma_start3A_335 : memref<88xi32, #tpu.memory_space<vmem>>) semaphore(%arg17 : memref<!tpu.dma_semaphore, #tpu.memory_space<semaphore_mem>>) {add = true}
      %add3A_339 = arith.constant 4 : i32
      %add3A_340 = arith.addi %mul3A_177, %add3A_339 : i32
      %sub3A_341 = arith.constant 2 : i32
      %sub3A_342 = arith.subi %add3A_340, %sub3A_341 : i32
      %dma_wait3A_343 = arith.constant 0 : i32
      %dma_wait3A_344 = tpu.memref_slice %arg8[%sub3A_342, %dma_wait3A_343] : memref<16x88xi32, #tpu.memory_space<vmem>> -> memref<1x88xi32, #tpu.memory_space<vmem>>
      %dma_wait3A_345 = tpu.memref_squeeze %dma_wait3A_344 : memref<1x88xi32, #tpu.memory_space<vmem>> -> memref<88xi32, #tpu.memory_space<vmem>>
      %dma_wait3A_346 = arith.constant 0 : i32
      %dma_wait3A_347 = arith.constant 0 : i32
      %dma_wait3A_348 = tpu.memref_slice %arg6[%dma_wait3A_346, %dma_wait3A_347] : memref<10120x128xf32, #tpu.memory_space<vmem_shared>> -> memref<10120x128xf32, #tpu.memory_space<vmem_shared>>
      tpu.wait_indirect_dma semaphore(%arg19 : memref<!tpu.dma_semaphore, #tpu.memory_space<semaphore_mem>>) src(%arg11 : memref<88x128xf32, #tpu.memory_space<vmem>>) dst(%dma_wait3A_348 : memref<10120x128xf32, #tpu.memory_space<vmem_shared>>)
      %add3A_349 = arith.constant 4 : i32
      %add3A_350 = arith.addi %mul3A_177, %add3A_349 : i32
      %add3A_351 = arith.constant 2 : i32
      %add3A_352 = arith.addi %add3A_350, %add3A_351 : i32
      %dma_start3A_353 = arith.constant 0 : i32
      %dma_start3A_354 = tpu.memref_slice %arg7[%add3A_352, %dma_start3A_353] : memref<16x88xi32, #tpu.memory_space<vmem>> -> memref<1x88xi32, #tpu.memory_space<vmem>>
      %dma_start3A_355 = tpu.memref_squeeze %dma_start3A_354 : memref<1x88xi32, #tpu.memory_space<vmem>> -> memref<88xi32, #tpu.memory_space<vmem>>
      %dma_start3A_356 = arith.constant 0 : i32
      %dma_start3A_357 = arith.constant 0 : i32
      %dma_start3A_358 = tpu.memref_slice %arg4[%dma_start3A_356, %dma_start3A_357] : memref<10000x128xf32, #tpu.memory_space<hbm>> -> memref<10000x128xf32, #tpu.memory_space<hbm>>
      tpu.enqueue_indirect_dma source(%dma_start3A_358 : memref<10000x128xf32, #tpu.memory_space<hbm>>) target(%arg11 : memref<88x128xf32, #tpu.memory_space<vmem>>) offsets(%dma_start3A_355 : memref<88xi32, #tpu.memory_space<vmem>>) semaphore(%arg15 : memref<!tpu.dma_semaphore, #tpu.memory_space<semaphore_mem>>)
      %add3A_359 = arith.constant 5 : i32
      %add3A_360 = arith.addi %mul3A_177, %add3A_359 : i32
      %dma_wait3A_361 = arith.constant 0 : i32
      %dma_wait3A_362 = tpu.memref_slice %arg7[%add3A_360, %dma_wait3A_361] : memref<16x88xi32, #tpu.memory_space<vmem>> -> memref<1x88xi32, #tpu.memory_space<vmem>>
      %dma_wait3A_363 = tpu.memref_squeeze %dma_wait3A_362 : memref<1x88xi32, #tpu.memory_space<vmem>> -> memref<88xi32, #tpu.memory_space<vmem>>
      %dma_wait3A_364 = arith.constant 0 : i32
      %dma_wait3A_365 = arith.constant 0 : i32
      %dma_wait3A_366 = tpu.memref_slice %arg4[%dma_wait3A_364, %dma_wait3A_365] : memref<10000x128xf32, #tpu.memory_space<hbm>> -> memref<10000x128xf32, #tpu.memory_space<hbm>>
      tpu.wait_indirect_dma semaphore(%arg14 : memref<!tpu.dma_semaphore, #tpu.memory_space<semaphore_mem>>) src(%dma_wait3A_366 : memref<10000x128xf32, #tpu.memory_space<hbm>>) dst(%arg10 : memref<88x128xf32, #tpu.memory_space<vmem>>)
      %add3A_367 = arith.constant 5 : i32
      %add3A_368 = arith.addi %mul3A_177, %add3A_367 : i32
      %dma_start3A_369 = arith.constant 0 : i32
      %dma_start3A_370 = tpu.memref_slice %arg8[%add3A_368, %dma_start3A_369] : memref<16x88xi32, #tpu.memory_space<vmem>> -> memref<1x88xi32, #tpu.memory_space<vmem>>
      %dma_start3A_371 = tpu.memref_squeeze %dma_start3A_370 : memref<1x88xi32, #tpu.memory_space<vmem>> -> memref<88xi32, #tpu.memory_space<vmem>>
      %dma_start3A_372 = arith.constant 0 : i32
      %dma_start3A_373 = arith.constant 0 : i32
      %dma_start3A_374 = tpu.memref_slice %arg6[%dma_start3A_372, %dma_start3A_373] : memref<10120x128xf32, #tpu.memory_space<vmem_shared>> -> memref<10120x128xf32, #tpu.memory_space<vmem_shared>>
      tpu.enqueue_indirect_dma source(%arg10 : memref<88x128xf32, #tpu.memory_space<vmem>>) target(%dma_start3A_374 : memref<10120x128xf32, #tpu.memory_space<vmem_shared>>) offsets(%dma_start3A_371 : memref<88xi32, #tpu.memory_space<vmem>>) semaphore(%arg18 : memref<!tpu.dma_semaphore, #tpu.memory_space<semaphore_mem>>) {add = true}
      %add3A_375 = arith.constant 5 : i32
      %add3A_376 = arith.addi %mul3A_177, %add3A_375 : i32
      %sub3A_377 = arith.constant 2 : i32
      %sub3A_378 = arith.subi %add3A_376, %sub3A_377 : i32
      %dma_wait3A_379 = arith.constant 0 : i32
      %dma_wait3A_380 = tpu.memref_slice %arg8[%sub3A_378, %dma_wait3A_379] : memref<16x88xi32, #tpu.memory_space<vmem>> -> memref<1x88xi32, #tpu.memory_space<vmem>>
      %dma_wait3A_381 = tpu.memref_squeeze %dma_wait3A_380 : memref<1x88xi32, #tpu.memory_space<vmem>> -> memref<88xi32, #tpu.memory_space<vmem>>
      %dma_wait3A_382 = arith.constant 0 : i32
      %dma_wait3A_383 = arith.constant 0 : i32
      %dma_wait3A_384 = tpu.memref_slice %arg6[%dma_wait3A_382, %dma_wait3A_383] : memref<10120x128xf32, #tpu.memory_space<vmem_shared>> -> memref<10120x128xf32, #tpu.memory_space<vmem_shared>>
      tpu.wait_indirect_dma semaphore(%arg20 : memref<!tpu.dma_semaphore, #tpu.memory_space<semaphore_mem>>) src(%arg12 : memref<88x128xf32, #tpu.memory_space<vmem>>) dst(%dma_wait3A_384 : memref<10120x128xf32, #tpu.memory_space<vmem_shared>>)
      %add3A_385 = arith.constant 5 : i32
      %add3A_386 = arith.addi %mul3A_177, %add3A_385 : i32
      %add3A_387 = arith.constant 2 : i32
      %add3A_388 = arith.addi %add3A_386, %add3A_387 : i32
      %dma_start3A_389 = arith.constant 0 : i32
      %dma_start3A_390 = tpu.memref_slice %arg7[%add3A_388, %dma_start3A_389] : memref<16x88xi32, #tpu.memory_space<vmem>> -> memref<1x88xi32, #tpu.memory_space<vmem>>
      %dma_start3A_391 = tpu.memref_squeeze %dma_start3A_390 : memref<1x88xi32, #tpu.memory_space<vmem>> -> memref<88xi32, #tpu.memory_space<vmem>>
      %dma_start3A_392 = arith.constant 0 : i32
      %dma_start3A_393 = arith.constant 0 : i32
      %dma_start3A_394 = tpu.memref_slice %arg4[%dma_start3A_392, %dma_start3A_393] : memref<10000x128xf32, #tpu.memory_space<hbm>> -> memref<10000x128xf32, #tpu.memory_space<hbm>>
      tpu.enqueue_indirect_dma source(%dma_start3A_394 : memref<10000x128xf32, #tpu.memory_space<hbm>>) target(%arg12 : memref<88x128xf32, #tpu.memory_space<vmem>>) offsets(%dma_start3A_391 : memref<88xi32, #tpu.memory_space<vmem>>) semaphore(%arg16 : memref<!tpu.dma_semaphore, #tpu.memory_space<semaphore_mem>>)
      %add3A_395 = arith.constant 6 : i32
      %add3A_396 = arith.addi %mul3A_177, %add3A_395 : i32
      %dma_wait3A_397 = arith.constant 0 : i32
      %dma_wait3A_398 = tpu.memref_slice %arg7[%add3A_396, %dma_wait3A_397] : memref<16x88xi32, #tpu.memory_space<vmem>> -> memref<1x88xi32, #tpu.memory_space<vmem>>
      %dma_wait3A_399 = tpu.memref_squeeze %dma_wait3A_398 : memref<1x88xi32, #tpu.memory_space<vmem>> -> memref<88xi32, #tpu.memory_space<vmem>>
      %dma_wait3A_400 = arith.constant 0 : i32
      %dma_wait3A_401 = arith.constant 0 : i32
      %dma_wait3A_402 = tpu.memref_slice %arg4[%dma_wait3A_400, %dma_wait3A_401] : memref<10000x128xf32, #tpu.memory_space<hbm>> -> memref<10000x128xf32, #tpu.memory_space<hbm>>
      tpu.wait_indirect_dma semaphore(%arg15 : memref<!tpu.dma_semaphore, #tpu.memory_space<semaphore_mem>>) src(%dma_wait3A_402 : memref<10000x128xf32, #tpu.memory_space<hbm>>) dst(%arg11 : memref<88x128xf32, #tpu.memory_space<vmem>>)
      %add3A_403 = arith.constant 6 : i32
      %add3A_404 = arith.addi %mul3A_177, %add3A_403 : i32
      %dma_start3A_405 = arith.constant 0 : i32
      %dma_start3A_406 = tpu.memref_slice %arg8[%add3A_404, %dma_start3A_405] : memref<16x88xi32, #tpu.memory_space<vmem>> -> memref<1x88xi32, #tpu.memory_space<vmem>>
      %dma_start3A_407 = tpu.memref_squeeze %dma_start3A_406 : memref<1x88xi32, #tpu.memory_space<vmem>> -> memref<88xi32, #tpu.memory_space<vmem>>
      %dma_start3A_408 = arith.constant 0 : i32
      %dma_start3A_409 = arith.constant 0 : i32
      %dma_start3A_410 = tpu.memref_slice %arg6[%dma_start3A_408, %dma_start3A_409] : memref<10120x128xf32, #tpu.memory_space<vmem_shared>> -> memref<10120x128xf32, #tpu.memory_space<vmem_shared>>
      tpu.enqueue_indirect_dma source(%arg11 : memref<88x128xf32, #tpu.memory_space<vmem>>) target(%dma_start3A_410 : memref<10120x128xf32, #tpu.memory_space<vmem_shared>>) offsets(%dma_start3A_407 : memref<88xi32, #tpu.memory_space<vmem>>) semaphore(%arg19 : memref<!tpu.dma_semaphore, #tpu.memory_space<semaphore_mem>>) {add = true}
      %add3A_411 = arith.constant 6 : i32
      %add3A_412 = arith.addi %mul3A_177, %add3A_411 : i32
      %sub3A_413 = arith.constant 2 : i32
      %sub3A_414 = arith.subi %add3A_412, %sub3A_413 : i32
      %dma_wait3A_415 = arith.constant 0 : i32
      %dma_wait3A_416 = tpu.memref_slice %arg8[%sub3A_414, %dma_wait3A_415] : memref<16x88xi32, #tpu.memory_space<vmem>> -> memref<1x88xi32, #tpu.memory_space<vmem>>
      %dma_wait3A_417 = tpu.memref_squeeze %dma_wait3A_416 : memref<1x88xi32, #tpu.memory_space<vmem>> -> memref<88xi32, #tpu.memory_space<vmem>>
      %dma_wait3A_418 = arith.constant 0 : i32
      %dma_wait3A_419 = arith.constant 0 : i32
      %dma_wait3A_420 = tpu.memref_slice %arg6[%dma_wait3A_418, %dma_wait3A_419] : memref<10120x128xf32, #tpu.memory_space<vmem_shared>> -> memref<10120x128xf32, #tpu.memory_space<vmem_shared>>
      tpu.wait_indirect_dma semaphore(%arg17 : memref<!tpu.dma_semaphore, #tpu.memory_space<semaphore_mem>>) src(%arg9 : memref<88x128xf32, #tpu.memory_space<vmem>>) dst(%dma_wait3A_420 : memref<10120x128xf32, #tpu.memory_space<vmem_shared>>)
      %add3A_421 = arith.constant 1 : i32
      %add3A_422 = arith.addi %scan3A_174, %add3A_421 : i32
      %lt3A_423 = arith.constant 15 : i32
      %lt3A_424 = arith.cmpi slt, %add3A_422, %lt3A_423 : i32
      %convert_element_type3A_425 = arith.extui %lt3A_424 : i1 to i32
      %cond3A_426 = arith.constant 0 : i32
      %cond3A_427 = arith.cmpi ne, %convert_element_type3A_425, %cond3A_426 : i32
      scf.if %cond3A_427 {
        %add3A_461 = arith.constant 1 : i32
        %add3A_462 = arith.addi %scan3A_174, %add3A_461 : i32
        %mul3A_463 = arith.constant 8 : i32
        %mul3A_464 = arith.muli %add3A_462, %mul3A_463 : i32
        %dma_wait3A_465 = arith.constant 0 : i32
        %dma_wait3A_466 = tpu.memref_slice %arg7[%mul3A_183, %dma_wait3A_465] : memref<16x88xi32, #tpu.memory_space<vmem>> -> memref<8x88xi32, #tpu.memory_space<vmem>>
        %dma_wait3A_467 = arith.constant 0 : i32
        %dma_wait3A_468 = tpu.memref_slice %arg2[%add3A, %mul3A_464, %dma_wait3A_467] : memref<32x120x88xi32, #tpu.memory_space<hbm>> -> memref<1x8x88xi32, #tpu.memory_space<hbm>>
        %dma_wait3A_469 = tpu.memref_squeeze %dma_wait3A_468 : memref<1x8x88xi32, #tpu.memory_space<hbm>> -> memref<8x88xi32, #tpu.memory_space<hbm>>
        %dma_wait3A_470 = arith.constant 0 : i32
        %dma_wait3A_471 = tpu.memref_slice %arg7[%mul3A_183, %dma_wait3A_470] : memref<16x88xi32, #tpu.memory_space<vmem>> -> memref<8x88xi32, #tpu.memory_space<vmem>>
        %dma_wait3A_472 = arith.constant 0 : i32
        %dma_wait3A_473 = tpu.memref_slice %arg2[%add3A, %mul3A_464, %dma_wait3A_472] : memref<32x120x88xi32, #tpu.memory_space<hbm>> -> memref<1x8x88xi32, #tpu.memory_space<hbm>>
        %dma_wait3A_474 = tpu.memref_squeeze %dma_wait3A_473 : memref<1x8x88xi32, #tpu.memory_space<hbm>> -> memref<8x88xi32, #tpu.memory_space<hbm>>
        tpu.wait_dma2 semaphore(%arg21 : memref<!tpu.dma_semaphore, #tpu.memory_space<semaphore_mem>>) src(%dma_wait3A_474 : memref<8x88xi32, #tpu.memory_space<hbm>>) dst(%dma_wait3A_471 : memref<8x88xi32, #tpu.memory_space<vmem>>)
        %add3A_475 = arith.constant 1 : i32
        %add3A_476 = arith.addi %scan3A_174, %add3A_475 : i32
        %mul3A_477 = arith.constant 8 : i32
        %mul3A_478 = arith.muli %add3A_476, %mul3A_477 : i32
        %dma_wait3A_479 = arith.constant 0 : i32
        %dma_wait3A_480 = tpu.memref_slice %arg8[%mul3A_183, %dma_wait3A_479] : memref<16x88xi32, #tpu.memory_space<vmem>> -> memref<8x88xi32, #tpu.memory_space<vmem>>
        %dma_wait3A_481 = arith.constant 0 : i32
        %dma_wait3A_482 = tpu.memref_slice %arg3[%add3A, %mul3A_478, %dma_wait3A_481] : memref<32x120x88xi32, #tpu.memory_space<hbm>> -> memref<1x8x88xi32, #tpu.memory_space<hbm>>
        %dma_wait3A_483 = tpu.memref_squeeze %dma_wait3A_482 : memref<1x8x88xi32, #tpu.memory_space<hbm>> -> memref<8x88xi32, #tpu.memory_space<hbm>>
        %dma_wait3A_484 = arith.constant 0 : i32
        %dma_wait3A_485 = tpu.memref_slice %arg8[%mul3A_183, %dma_wait3A_484] : memref<16x88xi32, #tpu.memory_space<vmem>> -> memref<8x88xi32, #tpu.memory_space<vmem>>
        %dma_wait3A_486 = arith.constant 0 : i32
        %dma_wait3A_487 = tpu.memref_slice %arg3[%add3A, %mul3A_478, %dma_wait3A_486] : memref<32x120x88xi32, #tpu.memory_space<hbm>> -> memref<1x8x88xi32, #tpu.memory_space<hbm>>
        %dma_wait3A_488 = tpu.memref_squeeze %dma_wait3A_487 : memref<1x8x88xi32, #tpu.memory_space<hbm>> -> memref<8x88xi32, #tpu.memory_space<hbm>>
        tpu.wait_dma2 semaphore(%arg21 : memref<!tpu.dma_semaphore, #tpu.memory_space<semaphore_mem>>) src(%dma_wait3A_488 : memref<8x88xi32, #tpu.memory_space<hbm>>) dst(%dma_wait3A_485 : memref<8x88xi32, #tpu.memory_space<vmem>>)
        %add3A_489 = arith.constant 6 : i32
        %add3A_490 = arith.addi %mul3A_183, %add3A_489 : i32
        %sub3A_491 = arith.constant 6 : i32
        %sub3A_492 = arith.subi %add3A_490, %sub3A_491 : i32
        %dma_start3A_493 = arith.constant 0 : i32
        %dma_start3A_494 = tpu.memref_slice %arg7[%sub3A_492, %dma_start3A_493] : memref<16x88xi32, #tpu.memory_space<vmem>> -> memref<1x88xi32, #tpu.memory_space<vmem>>
        %dma_start3A_495 = tpu.memref_squeeze %dma_start3A_494 : memref<1x88xi32, #tpu.memory_space<vmem>> -> memref<88xi32, #tpu.memory_space<vmem>>
        %dma_start3A_496 = arith.constant 0 : i32
        %dma_start3A_497 = arith.constant 0 : i32
        %dma_start3A_498 = tpu.memref_slice %arg4[%dma_start3A_496, %dma_start3A_497] : memref<10000x128xf32, #tpu.memory_space<hbm>> -> memref<10000x128xf32, #tpu.memory_space<hbm>>
        tpu.enqueue_indirect_dma source(%dma_start3A_498 : memref<10000x128xf32, #tpu.memory_space<hbm>>) target(%arg9 : memref<88x128xf32, #tpu.memory_space<vmem>>) offsets(%dma_start3A_495 : memref<88xi32, #tpu.memory_space<vmem>>) semaphore(%arg13 : memref<!tpu.dma_semaphore, #tpu.memory_space<semaphore_mem>>)
      } else {
      }
      %add3A_428 = arith.constant 7 : i32
      %add3A_429 = arith.addi %mul3A_177, %add3A_428 : i32
      %dma_wait3A_430 = arith.constant 0 : i32
      %dma_wait3A_431 = tpu.memref_slice %arg7[%add3A_429, %dma_wait3A_430] : memref<16x88xi32, #tpu.memory_space<vmem>> -> memref<1x88xi32, #tpu.memory_space<vmem>>
      %dma_wait3A_432 = tpu.memref_squeeze %dma_wait3A_431 : memref<1x88xi32, #tpu.memory_space<vmem>> -> memref<88xi32, #tpu.memory_space<vmem>>
      %dma_wait3A_433 = arith.constant 0 : i32
      %dma_wait3A_434 = arith.constant 0 : i32
      %dma_wait3A_435 = tpu.memref_slice %arg4[%dma_wait3A_433, %dma_wait3A_434] : memref<10000x128xf32, #tpu.memory_space<hbm>> -> memref<10000x128xf32, #tpu.memory_space<hbm>>
      tpu.wait_indirect_dma semaphore(%arg16 : memref<!tpu.dma_semaphore, #tpu.memory_space<semaphore_mem>>) src(%dma_wait3A_435 : memref<10000x128xf32, #tpu.memory_space<hbm>>) dst(%arg12 : memref<88x128xf32, #tpu.memory_space<vmem>>)
      %add3A_436 = arith.constant 7 : i32
      %add3A_437 = arith.addi %mul3A_177, %add3A_436 : i32
      %dma_start3A_438 = arith.constant 0 : i32
      %dma_start3A_439 = tpu.memref_slice %arg8[%add3A_437, %dma_start3A_438] : memref<16x88xi32, #tpu.memory_space<vmem>> -> memref<1x88xi32, #tpu.memory_space<vmem>>
      %dma_start3A_440 = tpu.memref_squeeze %dma_start3A_439 : memref<1x88xi32, #tpu.memory_space<vmem>> -> memref<88xi32, #tpu.memory_space<vmem>>
      %dma_start3A_441 = arith.constant 0 : i32
      %dma_start3A_442 = arith.constant 0 : i32
      %dma_start3A_443 = tpu.memref_slice %arg6[%dma_start3A_441, %dma_start3A_442] : memref<10120x128xf32, #tpu.memory_space<vmem_shared>> -> memref<10120x128xf32, #tpu.memory_space<vmem_shared>>
      tpu.enqueue_indirect_dma source(%arg12 : memref<88x128xf32, #tpu.memory_space<vmem>>) target(%dma_start3A_443 : memref<10120x128xf32, #tpu.memory_space<vmem_shared>>) offsets(%dma_start3A_440 : memref<88xi32, #tpu.memory_space<vmem>>) semaphore(%arg20 : memref<!tpu.dma_semaphore, #tpu.memory_space<semaphore_mem>>) {add = true}
      %add3A_444 = arith.constant 7 : i32
      %add3A_445 = arith.addi %mul3A_177, %add3A_444 : i32
      %sub3A_446 = arith.constant 2 : i32
      %sub3A_447 = arith.subi %add3A_445, %sub3A_446 : i32
      %dma_wait3A_448 = arith.constant 0 : i32
      %dma_wait3A_449 = tpu.memref_slice %arg8[%sub3A_447, %dma_wait3A_448] : memref<16x88xi32, #tpu.memory_space<vmem>> -> memref<1x88xi32, #tpu.memory_space<vmem>>
      %dma_wait3A_450 = tpu.memref_squeeze %dma_wait3A_449 : memref<1x88xi32, #tpu.memory_space<vmem>> -> memref<88xi32, #tpu.memory_space<vmem>>
      %dma_wait3A_451 = arith.constant 0 : i32
      %dma_wait3A_452 = arith.constant 0 : i32
      %dma_wait3A_453 = tpu.memref_slice %arg6[%dma_wait3A_451, %dma_wait3A_452] : memref<10120x128xf32, #tpu.memory_space<vmem_shared>> -> memref<10120x128xf32, #tpu.memory_space<vmem_shared>>
      tpu.wait_indirect_dma semaphore(%arg18 : memref<!tpu.dma_semaphore, #tpu.memory_space<semaphore_mem>>) src(%arg10 : memref<88x128xf32, #tpu.memory_space<vmem>>) dst(%dma_wait3A_453 : memref<10120x128xf32, #tpu.memory_space<vmem_shared>>)
      %add3A_454 = arith.constant 1 : i32
      %add3A_455 = arith.addi %scan3A_174, %add3A_454 : i32
      %lt3A_456 = arith.constant 15 : i32
      %lt3A_457 = arith.cmpi slt, %add3A_455, %lt3A_456 : i32
      %convert_element_type3A_458 = arith.extui %lt3A_457 : i1 to i32
      %cond3A_459 = arith.constant 0 : i32
      %cond3A_460 = arith.cmpi ne, %convert_element_type3A_458, %cond3A_459 : i32
      scf.if %cond3A_460 {
        %add3A_461 = arith.constant 7 : i32
        %add3A_462 = arith.addi %mul3A_183, %add3A_461 : i32
        %sub3A_463 = arith.constant 6 : i32
        %sub3A_464 = arith.subi %add3A_462, %sub3A_463 : i32
        %dma_start3A_465 = arith.constant 0 : i32
        %dma_start3A_466 = tpu.memref_slice %arg7[%sub3A_464, %dma_start3A_465] : memref<16x88xi32, #tpu.memory_space<vmem>> -> memref<1x88xi32, #tpu.memory_space<vmem>>
        %dma_start3A_467 = tpu.memref_squeeze %dma_start3A_466 : memref<1x88xi32, #tpu.memory_space<vmem>> -> memref<88xi32, #tpu.memory_space<vmem>>
        %dma_start3A_468 = arith.constant 0 : i32
        %dma_start3A_469 = arith.constant 0 : i32
        %dma_start3A_470 = tpu.memref_slice %arg4[%dma_start3A_468, %dma_start3A_469] : memref<10000x128xf32, #tpu.memory_space<hbm>> -> memref<10000x128xf32, #tpu.memory_space<hbm>>
        tpu.enqueue_indirect_dma source(%dma_start3A_470 : memref<10000x128xf32, #tpu.memory_space<hbm>>) target(%arg10 : memref<88x128xf32, #tpu.memory_space<vmem>>) offsets(%dma_start3A_467 : memref<88xi32, #tpu.memory_space<vmem>>) semaphore(%arg14 : memref<!tpu.dma_semaphore, #tpu.memory_space<semaphore_mem>>)
      } else {
      }
    }
    %scan3A_75 = arith.constant 15 : i32
    %dma_wait3A = arith.constant 14 : i32
    %dma_wait3A_76 = arith.constant 0 : i32
    %dma_wait3A_77 = tpu.memref_slice %arg8[%dma_wait3A, %dma_wait3A_76] : memref<16x88xi32, #tpu.memory_space<vmem>> -> memref<1x88xi32, #tpu.memory_space<vmem>>
    %dma_wait3A_78 = tpu.memref_squeeze %dma_wait3A_77 : memref<1x88xi32, #tpu.memory_space<vmem>> -> memref<88xi32, #tpu.memory_space<vmem>>
    %dma_wait3A_79 = arith.constant 0 : i32
    %dma_wait3A_80 = arith.constant 0 : i32
    %dma_wait3A_81 = tpu.memref_slice %arg6[%dma_wait3A_79, %dma_wait3A_80] : memref<10120x128xf32, #tpu.memory_space<vmem_shared>> -> memref<10120x128xf32, #tpu.memory_space<vmem_shared>>
    tpu.wait_indirect_dma semaphore(%arg19 : memref<!tpu.dma_semaphore, #tpu.memory_space<semaphore_mem>>) src(%arg11 : memref<88x128xf32, #tpu.memory_space<vmem>>) dst(%dma_wait3A_81 : memref<10120x128xf32, #tpu.memory_space<vmem_shared>>)
    %dma_wait3A_82 = arith.constant 15 : i32
    %dma_wait3A_83 = arith.constant 0 : i32
    %dma_wait3A_84 = tpu.memref_slice %arg8[%dma_wait3A_82, %dma_wait3A_83] : memref<16x88xi32, #tpu.memory_space<vmem>> -> memref<1x88xi32, #tpu.memory_space<vmem>>
    %dma_wait3A_85 = tpu.memref_squeeze %dma_wait3A_84 : memref<1x88xi32, #tpu.memory_space<vmem>> -> memref<88xi32, #tpu.memory_space<vmem>>
    %dma_wait3A_86 = arith.constant 0 : i32
    %dma_wait3A_87 = arith.constant 0 : i32
    %dma_wait3A_88 = tpu.memref_slice %arg6[%dma_wait3A_86, %dma_wait3A_87] : memref<10120x128xf32, #tpu.memory_space<vmem_shared>> -> memref<10120x128xf32, #tpu.memory_space<vmem_shared>>
    tpu.wait_indirect_dma semaphore(%arg20 : memref<!tpu.dma_semaphore, #tpu.memory_space<semaphore_mem>>) src(%arg12 : memref<88x128xf32, #tpu.memory_space<vmem>>) dst(%dma_wait3A_88 : memref<10120x128xf32, #tpu.memory_space<vmem_shared>>)
    %barrier3A_89 = arith.constant 0 : index
    tpu.barrier barrier_id(%barrier3A_89)
    %add3A_90 = arith.constant 0 : i32
    %add3A_91 = arith.addi %arg1, %add3A_90 : i32
    %lt3A_92 = arith.constant 125 : i32
    %lt3A_93 = arith.cmpi slt, %add3A_91, %lt3A_92 : i32
    %convert_element_type3A_94 = arith.extui %lt3A_93 : i1 to i32
    %cond3A_95 = arith.constant 0 : i32
    %cond3A_96 = arith.cmpi ne, %convert_element_type3A_94, %cond3A_95 : i32
    scf.if %cond3A_96 {
      %mul3A_174 = arith.constant 80 : i32
      %mul3A_175 = arith.muli %add3A_91, %mul3A_174 : i32
      "tpu.region"() ({
        %run_scoped3A = tpu.sem_alloc : memref<!tpu.dma_semaphore, #tpu.memory_space<semaphore_mem>>
        %dma_start3A_190 = arith.constant 0 : i32
        %dma_start3A_191 = arith.constant 0 : i32
        %dma_start3A_192 = tpu.memref_slice %arg9[%dma_start3A_190, %dma_start3A_191] : memref<88x128xf32, #tpu.memory_space<vmem>> -> memref<80x128xf32, #tpu.memory_space<vmem>>
        %dma_start3A_193 = arith.constant 0 : i32
        %dma_start3A_194 = tpu.memref_slice %arg6[%mul3A_175, %dma_start3A_193] : memref<10120x128xf32, #tpu.memory_space<vmem_shared>> -> memref<80x128xf32, #tpu.memory_space<vmem_shared>>
        %dma_start3A_195 = arith.constant 0 : i32
        %dma_start3A_196 = arith.constant 0 : i32
        %dma_start3A_197 = tpu.memref_slice %arg9[%dma_start3A_195, %dma_start3A_196] : memref<88x128xf32, #tpu.memory_space<vmem>> -> memref<80x128xf32, #tpu.memory_space<vmem>>
        %dma_start3A_198 = arith.constant 0 : i32
        %dma_start3A_199 = tpu.memref_slice %arg6[%mul3A_175, %dma_start3A_198] : memref<10120x128xf32, #tpu.memory_space<vmem_shared>> -> memref<80x128xf32, #tpu.memory_space<vmem_shared>>
        tpu.enqueue_dma source(%dma_start3A_199 : memref<80x128xf32, #tpu.memory_space<vmem_shared>>) target(%dma_start3A_197 : memref<80x128xf32, #tpu.memory_space<vmem>>) target_semaphore(%run_scoped3A : memref<!tpu.dma_semaphore, #tpu.memory_space<semaphore_mem>>)
        %dma_wait3A_200 = arith.constant 0 : i32
        %dma_wait3A_201 = arith.constant 0 : i32
        %dma_wait3A_202 = tpu.memref_slice %arg9[%dma_wait3A_200, %dma_wait3A_201] : memref<88x128xf32, #tpu.memory_space<vmem>> -> memref<80x128xf32, #tpu.memory_space<vmem>>
        %dma_wait3A_203 = arith.constant 0 : i32
        %dma_wait3A_204 = tpu.memref_slice %arg6[%mul3A_175, %dma_wait3A_203] : memref<10120x128xf32, #tpu.memory_space<vmem_shared>> -> memref<80x128xf32, #tpu.memory_space<vmem_shared>>
        %dma_wait3A_205 = arith.constant 0 : i32
        %dma_wait3A_206 = arith.constant 0 : i32
        %dma_wait3A_207 = tpu.memref_slice %arg9[%dma_wait3A_205, %dma_wait3A_206] : memref<88x128xf32, #tpu.memory_space<vmem>> -> memref<80x128xf32, #tpu.memory_space<vmem>>
        %dma_wait3A_208 = arith.constant 0 : i32
        %dma_wait3A_209 = tpu.memref_slice %arg6[%mul3A_175, %dma_wait3A_208] : memref<10120x128xf32, #tpu.memory_space<vmem_shared>> -> memref<80x128xf32, #tpu.memory_space<vmem_shared>>
        tpu.wait_dma2 semaphore(%run_scoped3A : memref<!tpu.dma_semaphore, #tpu.memory_space<semaphore_mem>>) src(%dma_wait3A_209 : memref<80x128xf32, #tpu.memory_space<vmem_shared>>) dst(%dma_wait3A_207 : memref<80x128xf32, #tpu.memory_space<vmem>>)
        tpu.yield
      }) : () -> ()
      %mul3A_176 = arith.constant 80 : i32
      %mul3A_177 = arith.muli %add3A_91, %mul3A_176 : i32
      %dma_start3A_178 = arith.constant 0 : i32
      %dma_start3A_179 = arith.constant 0 : i32
      %dma_start3A_180 = tpu.memref_slice %arg9[%dma_start3A_178, %dma_start3A_179] : memref<88x128xf32, #tpu.memory_space<vmem>> -> memref<80x128xf32, #tpu.memory_space<vmem>>
      %dma_start3A_181 = arith.constant 0 : i32
      %dma_start3A_182 = tpu.memref_slice %arg5[%arg0, %mul3A_177, %dma_start3A_181] : memref<2x10000x128xf32, #tpu.memory_space<hbm>> -> memref<1x80x128xf32, #tpu.memory_space<hbm>>
      %dma_start3A_183 = tpu.memref_squeeze %dma_start3A_182 : memref<1x80x128xf32, #tpu.memory_space<hbm>> -> memref<80x128xf32, #tpu.memory_space<hbm>>
      %dma_start3A_184 = arith.constant 0 : i32
      %dma_start3A_185 = tpu.memref_slice %arg5[%arg0, %mul3A_177, %dma_start3A_184] : memref<2x10000x128xf32, #tpu.memory_space<hbm>> -> memref<1x80x128xf32, #tpu.memory_space<hbm>>
      %dma_start3A_186 = tpu.memref_squeeze %dma_start3A_185 : memref<1x80x128xf32, #tpu.memory_space<hbm>> -> memref<80x128xf32, #tpu.memory_space<hbm>>
      %dma_start3A_187 = arith.constant 0 : i32
      %dma_start3A_188 = arith.constant 0 : i32
      %dma_start3A_189 = tpu.memref_slice %arg9[%dma_start3A_187, %dma_start3A_188] : memref<88x128xf32, #tpu.memory_space<vmem>> -> memref<80x128xf32, #tpu.memory_space<vmem>>
      tpu.enqueue_dma source(%dma_start3A_189 : memref<80x128xf32, #tpu.memory_space<vmem>>) target(%dma_start3A_186 : memref<80x128xf32, #tpu.memory_space<hbm>>) target_semaphore(%arg22 : memref<!tpu.dma_semaphore, #tpu.memory_space<semaphore_mem>>)
    } else {
    }
    %add3A_97 = arith.constant 16 : i32
    %add3A_98 = arith.addi %arg1, %add3A_97 : i32
    %lt3A_99 = arith.constant 125 : i32
    %lt3A_100 = arith.cmpi slt, %add3A_98, %lt3A_99 : i32
    %convert_element_type3A_101 = arith.extui %lt3A_100 : i1 to i32
    %cond3A_102 = arith.constant 0 : i32
    %cond3A_103 = arith.cmpi ne, %convert_element_type3A_101, %cond3A_102 : i32
    scf.if %cond3A_103 {
      %mul3A_174 = arith.constant 80 : i32
      %mul3A_175 = arith.muli %add3A_98, %mul3A_174 : i32
      "tpu.region"() ({
        %run_scoped3A = tpu.sem_alloc : memref<!tpu.dma_semaphore, #tpu.memory_space<semaphore_mem>>
        %dma_start3A_190 = arith.constant 0 : i32
        %dma_start3A_191 = arith.constant 0 : i32
        %dma_start3A_192 = tpu.memref_slice %arg10[%dma_start3A_190, %dma_start3A_191] : memref<88x128xf32, #tpu.memory_space<vmem>> -> memref<80x128xf32, #tpu.memory_space<vmem>>
        %dma_start3A_193 = arith.constant 0 : i32
        %dma_start3A_194 = tpu.memref_slice %arg6[%mul3A_175, %dma_start3A_193] : memref<10120x128xf32, #tpu.memory_space<vmem_shared>> -> memref<80x128xf32, #tpu.memory_space<vmem_shared>>
        %dma_start3A_195 = arith.constant 0 : i32
        %dma_start3A_196 = arith.constant 0 : i32
        %dma_start3A_197 = tpu.memref_slice %arg10[%dma_start3A_195, %dma_start3A_196] : memref<88x128xf32, #tpu.memory_space<vmem>> -> memref<80x128xf32, #tpu.memory_space<vmem>>
        %dma_start3A_198 = arith.constant 0 : i32
        %dma_start3A_199 = tpu.memref_slice %arg6[%mul3A_175, %dma_start3A_198] : memref<10120x128xf32, #tpu.memory_space<vmem_shared>> -> memref<80x128xf32, #tpu.memory_space<vmem_shared>>
        tpu.enqueue_dma source(%dma_start3A_199 : memref<80x128xf32, #tpu.memory_space<vmem_shared>>) target(%dma_start3A_197 : memref<80x128xf32, #tpu.memory_space<vmem>>) target_semaphore(%run_scoped3A : memref<!tpu.dma_semaphore, #tpu.memory_space<semaphore_mem>>)
        %dma_wait3A_200 = arith.constant 0 : i32
        %dma_wait3A_201 = arith.constant 0 : i32
        %dma_wait3A_202 = tpu.memref_slice %arg10[%dma_wait3A_200, %dma_wait3A_201] : memref<88x128xf32, #tpu.memory_space<vmem>> -> memref<80x128xf32, #tpu.memory_space<vmem>>
        %dma_wait3A_203 = arith.constant 0 : i32
        %dma_wait3A_204 = tpu.memref_slice %arg6[%mul3A_175, %dma_wait3A_203] : memref<10120x128xf32, #tpu.memory_space<vmem_shared>> -> memref<80x128xf32, #tpu.memory_space<vmem_shared>>
        %dma_wait3A_205 = arith.constant 0 : i32
        %dma_wait3A_206 = arith.constant 0 : i32
        %dma_wait3A_207 = tpu.memref_slice %arg10[%dma_wait3A_205, %dma_wait3A_206] : memref<88x128xf32, #tpu.memory_space<vmem>> -> memref<80x128xf32, #tpu.memory_space<vmem>>
        %dma_wait3A_208 = arith.constant 0 : i32
        %dma_wait3A_209 = tpu.memref_slice %arg6[%mul3A_175, %dma_wait3A_208] : memref<10120x128xf32, #tpu.memory_space<vmem_shared>> -> memref<80x128xf32, #tpu.memory_space<vmem_shared>>
        tpu.wait_dma2 semaphore(%run_scoped3A : memref<!tpu.dma_semaphore, #tpu.memory_space<semaphore_mem>>) src(%dma_wait3A_209 : memref<80x128xf32, #tpu.memory_space<vmem_shared>>) dst(%dma_wait3A_207 : memref<80x128xf32, #tpu.memory_space<vmem>>)
        tpu.yield
      }) : () -> ()
      %mul3A_176 = arith.constant 80 : i32
      %mul3A_177 = arith.muli %add3A_98, %mul3A_176 : i32
      %dma_start3A_178 = arith.constant 0 : i32
      %dma_start3A_179 = arith.constant 0 : i32
      %dma_start3A_180 = tpu.memref_slice %arg10[%dma_start3A_178, %dma_start3A_179] : memref<88x128xf32, #tpu.memory_space<vmem>> -> memref<80x128xf32, #tpu.memory_space<vmem>>
      %dma_start3A_181 = arith.constant 0 : i32
      %dma_start3A_182 = tpu.memref_slice %arg5[%arg0, %mul3A_177, %dma_start3A_181] : memref<2x10000x128xf32, #tpu.memory_space<hbm>> -> memref<1x80x128xf32, #tpu.memory_space<hbm>>
      %dma_start3A_183 = tpu.memref_squeeze %dma_start3A_182 : memref<1x80x128xf32, #tpu.memory_space<hbm>> -> memref<80x128xf32, #tpu.memory_space<hbm>>
      %dma_start3A_184 = arith.constant 0 : i32
      %dma_start3A_185 = tpu.memref_slice %arg5[%arg0, %mul3A_177, %dma_start3A_184] : memref<2x10000x128xf32, #tpu.memory_space<hbm>> -> memref<1x80x128xf32, #tpu.memory_space<hbm>>
      %dma_start3A_186 = tpu.memref_squeeze %dma_start3A_185 : memref<1x80x128xf32, #tpu.memory_space<hbm>> -> memref<80x128xf32, #tpu.memory_space<hbm>>
      %dma_start3A_187 = arith.constant 0 : i32
      %dma_start3A_188 = arith.constant 0 : i32
      %dma_start3A_189 = tpu.memref_slice %arg10[%dma_start3A_187, %dma_start3A_188] : memref<88x128xf32, #tpu.memory_space<vmem>> -> memref<80x128xf32, #tpu.memory_space<vmem>>
      tpu.enqueue_dma source(%dma_start3A_189 : memref<80x128xf32, #tpu.memory_space<vmem>>) target(%dma_start3A_186 : memref<80x128xf32, #tpu.memory_space<hbm>>) target_semaphore(%arg23 : memref<!tpu.dma_semaphore, #tpu.memory_space<semaphore_mem>>)
    } else {
    }
    %add3A_104 = arith.constant 32 : i32
    %add3A_105 = arith.addi %arg1, %add3A_104 : i32
    %lt3A_106 = arith.constant 125 : i32
    %lt3A_107 = arith.cmpi slt, %add3A_105, %lt3A_106 : i32
    %convert_element_type3A_108 = arith.extui %lt3A_107 : i1 to i32
    %cond3A_109 = arith.constant 0 : i32
    %cond3A_110 = arith.cmpi ne, %convert_element_type3A_108, %cond3A_109 : i32
    scf.if %cond3A_110 {
      %mul3A_174 = arith.constant 80 : i32
      %mul3A_175 = arith.muli %add3A_105, %mul3A_174 : i32
      %dma_wait3A_176 = arith.constant 0 : i32
      %dma_wait3A_177 = arith.constant 0 : i32
      %dma_wait3A_178 = tpu.memref_slice %arg9[%dma_wait3A_176, %dma_wait3A_177] : memref<88x128xf32, #tpu.memory_space<vmem>> -> memref<80x128xf32, #tpu.memory_space<vmem>>
      %dma_wait3A_179 = arith.constant 0 : i32
      %dma_wait3A_180 = tpu.memref_slice %arg5[%arg0, %mul3A_175, %dma_wait3A_179] : memref<2x10000x128xf32, #tpu.memory_space<hbm>> -> memref<1x80x128xf32, #tpu.memory_space<hbm>>
      %dma_wait3A_181 = tpu.memref_squeeze %dma_wait3A_180 : memref<1x80x128xf32, #tpu.memory_space<hbm>> -> memref<80x128xf32, #tpu.memory_space<hbm>>
      %dma_wait3A_182 = arith.constant 0 : i32
      %dma_wait3A_183 = tpu.memref_slice %arg5[%arg0, %mul3A_175, %dma_wait3A_182] : memref<2x10000x128xf32, #tpu.memory_space<hbm>> -> memref<1x80x128xf32, #tpu.memory_space<hbm>>
      %dma_wait3A_184 = tpu.memref_squeeze %dma_wait3A_183 : memref<1x80x128xf32, #tpu.memory_space<hbm>> -> memref<80x128xf32, #tpu.memory_space<hbm>>
      %dma_wait3A_185 = arith.constant 0 : i32
      %dma_wait3A_186 = arith.constant 0 : i32
      %dma_wait3A_187 = tpu.memref_slice %arg9[%dma_wait3A_185, %dma_wait3A_186] : memref<88x128xf32, #tpu.memory_space<vmem>> -> memref<80x128xf32, #tpu.memory_space<vmem>>
      tpu.wait_dma2 semaphore(%arg22 : memref<!tpu.dma_semaphore, #tpu.memory_space<semaphore_mem>>) src(%dma_wait3A_187 : memref<80x128xf32, #tpu.memory_space<vmem>>) dst(%dma_wait3A_184 : memref<80x128xf32, #tpu.memory_space<hbm>>)
      %mul3A_188 = arith.constant 80 : i32
      %mul3A_189 = arith.muli %add3A_105, %mul3A_188 : i32
      "tpu.region"() ({
        %run_scoped3A = tpu.sem_alloc : memref<!tpu.dma_semaphore, #tpu.memory_space<semaphore_mem>>
        %dma_start3A_204 = arith.constant 0 : i32
        %dma_start3A_205 = arith.constant 0 : i32
        %dma_start3A_206 = tpu.memref_slice %arg9[%dma_start3A_204, %dma_start3A_205] : memref<88x128xf32, #tpu.memory_space<vmem>> -> memref<80x128xf32, #tpu.memory_space<vmem>>
        %dma_start3A_207 = arith.constant 0 : i32
        %dma_start3A_208 = tpu.memref_slice %arg6[%mul3A_189, %dma_start3A_207] : memref<10120x128xf32, #tpu.memory_space<vmem_shared>> -> memref<80x128xf32, #tpu.memory_space<vmem_shared>>
        %dma_start3A_209 = arith.constant 0 : i32
        %dma_start3A_210 = arith.constant 0 : i32
        %dma_start3A_211 = tpu.memref_slice %arg9[%dma_start3A_209, %dma_start3A_210] : memref<88x128xf32, #tpu.memory_space<vmem>> -> memref<80x128xf32, #tpu.memory_space<vmem>>
        %dma_start3A_212 = arith.constant 0 : i32
        %dma_start3A_213 = tpu.memref_slice %arg6[%mul3A_189, %dma_start3A_212] : memref<10120x128xf32, #tpu.memory_space<vmem_shared>> -> memref<80x128xf32, #tpu.memory_space<vmem_shared>>
        tpu.enqueue_dma source(%dma_start3A_213 : memref<80x128xf32, #tpu.memory_space<vmem_shared>>) target(%dma_start3A_211 : memref<80x128xf32, #tpu.memory_space<vmem>>) target_semaphore(%run_scoped3A : memref<!tpu.dma_semaphore, #tpu.memory_space<semaphore_mem>>)
        %dma_wait3A_214 = arith.constant 0 : i32
        %dma_wait3A_215 = arith.constant 0 : i32
        %dma_wait3A_216 = tpu.memref_slice %arg9[%dma_wait3A_214, %dma_wait3A_215] : memref<88x128xf32, #tpu.memory_space<vmem>> -> memref<80x128xf32, #tpu.memory_space<vmem>>
        %dma_wait3A_217 = arith.constant 0 : i32
        %dma_wait3A_218 = tpu.memref_slice %arg6[%mul3A_189, %dma_wait3A_217] : memref<10120x128xf32, #tpu.memory_space<vmem_shared>> -> memref<80x128xf32, #tpu.memory_space<vmem_shared>>
        %dma_wait3A_219 = arith.constant 0 : i32
        %dma_wait3A_220 = arith.constant 0 : i32
        %dma_wait3A_221 = tpu.memref_slice %arg9[%dma_wait3A_219, %dma_wait3A_220] : memref<88x128xf32, #tpu.memory_space<vmem>> -> memref<80x128xf32, #tpu.memory_space<vmem>>
        %dma_wait3A_222 = arith.constant 0 : i32
        %dma_wait3A_223 = tpu.memref_slice %arg6[%mul3A_189, %dma_wait3A_222] : memref<10120x128xf32, #tpu.memory_space<vmem_shared>> -> memref<80x128xf32, #tpu.memory_space<vmem_shared>>
        tpu.wait_dma2 semaphore(%run_scoped3A : memref<!tpu.dma_semaphore, #tpu.memory_space<semaphore_mem>>) src(%dma_wait3A_223 : memref<80x128xf32, #tpu.memory_space<vmem_shared>>) dst(%dma_wait3A_221 : memref<80x128xf32, #tpu.memory_space<vmem>>)
        tpu.yield
      }) : () -> ()
      %mul3A_190 = arith.constant 80 : i32
      %mul3A_191 = arith.muli %add3A_105, %mul3A_190 : i32
      %dma_start3A_192 = arith.constant 0 : i32
      %dma_start3A_193 = arith.constant 0 : i32
      %dma_start3A_194 = tpu.memref_slice %arg9[%dma_start3A_192, %dma_start3A_193] : memref<88x128xf32, #tpu.memory_space<vmem>> -> memref<80x128xf32, #tpu.memory_space<vmem>>
      %dma_start3A_195 = arith.constant 0 : i32
      %dma_start3A_196 = tpu.memref_slice %arg5[%arg0, %mul3A_191, %dma_start3A_195] : memref<2x10000x128xf32, #tpu.memory_space<hbm>> -> memref<1x80x128xf32, #tpu.memory_space<hbm>>
      %dma_start3A_197 = tpu.memref_squeeze %dma_start3A_196 : memref<1x80x128xf32, #tpu.memory_space<hbm>> -> memref<80x128xf32, #tpu.memory_space<hbm>>
      %dma_start3A_198 = arith.constant 0 : i32
      %dma_start3A_199 = tpu.memref_slice %arg5[%arg0, %mul3A_191, %dma_start3A_198] : memref<2x10000x128xf32, #tpu.memory_space<hbm>> -> memref<1x80x128xf32, #tpu.memory_space<hbm>>
      %dma_start3A_200 = tpu.memref_squeeze %dma_start3A_199 : memref<1x80x128xf32, #tpu.memory_space<hbm>> -> memref<80x128xf32, #tpu.memory_space<hbm>>
      %dma_start3A_201 = arith.constant 0 : i32
      %dma_start3A_202 = arith.constant 0 : i32
      %dma_start3A_203 = tpu.memref_slice %arg9[%dma_start3A_201, %dma_start3A_202] : memref<88x128xf32, #tpu.memory_space<vmem>> -> memref<80x128xf32, #tpu.memory_space<vmem>>
      tpu.enqueue_dma source(%dma_start3A_203 : memref<80x128xf32, #tpu.memory_space<vmem>>) target(%dma_start3A_200 : memref<80x128xf32, #tpu.memory_space<hbm>>) target_semaphore(%arg22 : memref<!tpu.dma_semaphore, #tpu.memory_space<semaphore_mem>>)
    } else {
    }
    %add3A_111 = arith.constant 48 : i32
    %add3A_112 = arith.addi %arg1, %add3A_111 : i32
    %lt3A_113 = arith.constant 125 : i32
    %lt3A_114 = arith.cmpi slt, %add3A_112, %lt3A_113 : i32
    %convert_element_type3A_115 = arith.extui %lt3A_114 : i1 to i32
    %cond3A_116 = arith.constant 0 : i32
    %cond3A_117 = arith.cmpi ne, %convert_element_type3A_115, %cond3A_116 : i32
    scf.if %cond3A_117 {
      %mul3A_174 = arith.constant 80 : i32
      %mul3A_175 = arith.muli %add3A_112, %mul3A_174 : i32
      %dma_wait3A_176 = arith.constant 0 : i32
      %dma_wait3A_177 = arith.constant 0 : i32
      %dma_wait3A_178 = tpu.memref_slice %arg10[%dma_wait3A_176, %dma_wait3A_177] : memref<88x128xf32, #tpu.memory_space<vmem>> -> memref<80x128xf32, #tpu.memory_space<vmem>>
      %dma_wait3A_179 = arith.constant 0 : i32
      %dma_wait3A_180 = tpu.memref_slice %arg5[%arg0, %mul3A_175, %dma_wait3A_179] : memref<2x10000x128xf32, #tpu.memory_space<hbm>> -> memref<1x80x128xf32, #tpu.memory_space<hbm>>
      %dma_wait3A_181 = tpu.memref_squeeze %dma_wait3A_180 : memref<1x80x128xf32, #tpu.memory_space<hbm>> -> memref<80x128xf32, #tpu.memory_space<hbm>>
      %dma_wait3A_182 = arith.constant 0 : i32
      %dma_wait3A_183 = tpu.memref_slice %arg5[%arg0, %mul3A_175, %dma_wait3A_182] : memref<2x10000x128xf32, #tpu.memory_space<hbm>> -> memref<1x80x128xf32, #tpu.memory_space<hbm>>
      %dma_wait3A_184 = tpu.memref_squeeze %dma_wait3A_183 : memref<1x80x128xf32, #tpu.memory_space<hbm>> -> memref<80x128xf32, #tpu.memory_space<hbm>>
      %dma_wait3A_185 = arith.constant 0 : i32
      %dma_wait3A_186 = arith.constant 0 : i32
      %dma_wait3A_187 = tpu.memref_slice %arg10[%dma_wait3A_185, %dma_wait3A_186] : memref<88x128xf32, #tpu.memory_space<vmem>> -> memref<80x128xf32, #tpu.memory_space<vmem>>
      tpu.wait_dma2 semaphore(%arg23 : memref<!tpu.dma_semaphore, #tpu.memory_space<semaphore_mem>>) src(%dma_wait3A_187 : memref<80x128xf32, #tpu.memory_space<vmem>>) dst(%dma_wait3A_184 : memref<80x128xf32, #tpu.memory_space<hbm>>)
      %mul3A_188 = arith.constant 80 : i32
      %mul3A_189 = arith.muli %add3A_112, %mul3A_188 : i32
      "tpu.region"() ({
        %run_scoped3A = tpu.sem_alloc : memref<!tpu.dma_semaphore, #tpu.memory_space<semaphore_mem>>
        %dma_start3A_204 = arith.constant 0 : i32
        %dma_start3A_205 = arith.constant 0 : i32
        %dma_start3A_206 = tpu.memref_slice %arg10[%dma_start3A_204, %dma_start3A_205] : memref<88x128xf32, #tpu.memory_space<vmem>> -> memref<80x128xf32, #tpu.memory_space<vmem>>
        %dma_start3A_207 = arith.constant 0 : i32
        %dma_start3A_208 = tpu.memref_slice %arg6[%mul3A_189, %dma_start3A_207] : memref<10120x128xf32, #tpu.memory_space<vmem_shared>> -> memref<80x128xf32, #tpu.memory_space<vmem_shared>>
        %dma_start3A_209 = arith.constant 0 : i32
        %dma_start3A_210 = arith.constant 0 : i32
        %dma_start3A_211 = tpu.memref_slice %arg10[%dma_start3A_209, %dma_start3A_210] : memref<88x128xf32, #tpu.memory_space<vmem>> -> memref<80x128xf32, #tpu.memory_space<vmem>>
        %dma_start3A_212 = arith.constant 0 : i32
        %dma_start3A_213 = tpu.memref_slice %arg6[%mul3A_189, %dma_start3A_212] : memref<10120x128xf32, #tpu.memory_space<vmem_shared>> -> memref<80x128xf32, #tpu.memory_space<vmem_shared>>
        tpu.enqueue_dma source(%dma_start3A_213 : memref<80x128xf32, #tpu.memory_space<vmem_shared>>) target(%dma_start3A_211 : memref<80x128xf32, #tpu.memory_space<vmem>>) target_semaphore(%run_scoped3A : memref<!tpu.dma_semaphore, #tpu.memory_space<semaphore_mem>>)
        %dma_wait3A_214 = arith.constant 0 : i32
        %dma_wait3A_215 = arith.constant 0 : i32
        %dma_wait3A_216 = tpu.memref_slice %arg10[%dma_wait3A_214, %dma_wait3A_215] : memref<88x128xf32, #tpu.memory_space<vmem>> -> memref<80x128xf32, #tpu.memory_space<vmem>>
        %dma_wait3A_217 = arith.constant 0 : i32
        %dma_wait3A_218 = tpu.memref_slice %arg6[%mul3A_189, %dma_wait3A_217] : memref<10120x128xf32, #tpu.memory_space<vmem_shared>> -> memref<80x128xf32, #tpu.memory_space<vmem_shared>>
        %dma_wait3A_219 = arith.constant 0 : i32
        %dma_wait3A_220 = arith.constant 0 : i32
        %dma_wait3A_221 = tpu.memref_slice %arg10[%dma_wait3A_219, %dma_wait3A_220] : memref<88x128xf32, #tpu.memory_space<vmem>> -> memref<80x128xf32, #tpu.memory_space<vmem>>
        %dma_wait3A_222 = arith.constant 0 : i32
        %dma_wait3A_223 = tpu.memref_slice %arg6[%mul3A_189, %dma_wait3A_222] : memref<10120x128xf32, #tpu.memory_space<vmem_shared>> -> memref<80x128xf32, #tpu.memory_space<vmem_shared>>
        tpu.wait_dma2 semaphore(%run_scoped3A : memref<!tpu.dma_semaphore, #tpu.memory_space<semaphore_mem>>) src(%dma_wait3A_223 : memref<80x128xf32, #tpu.memory_space<vmem_shared>>) dst(%dma_wait3A_221 : memref<80x128xf32, #tpu.memory_space<vmem>>)
        tpu.yield
      }) : () -> ()
      %mul3A_190 = arith.constant 80 : i32
      %mul3A_191 = arith.muli %add3A_112, %mul3A_190 : i32
      %dma_start3A_192 = arith.constant 0 : i32
      %dma_start3A_193 = arith.constant 0 : i32
      %dma_start3A_194 = tpu.memref_slice %arg10[%dma_start3A_192, %dma_start3A_193] : memref<88x128xf32, #tpu.memory_space<vmem>> -> memref<80x128xf32, #tpu.memory_space<vmem>>
      %dma_start3A_195 = arith.constant 0 : i32
      %dma_start3A_196 = tpu.memref_slice %arg5[%arg0, %mul3A_191, %dma_start3A_195] : memref<2x10000x128xf32, #tpu.memory_space<hbm>> -> memref<1x80x128xf32, #tpu.memory_space<hbm>>
      %dma_start3A_197 = tpu.memref_squeeze %dma_start3A_196 : memref<1x80x128xf32, #tpu.memory_space<hbm>> -> memref<80x128xf32, #tpu.memory_space<hbm>>
      %dma_start3A_198 = arith.constant 0 : i32
      %dma_start3A_199 = tpu.memref_slice %arg5[%arg0, %mul3A_191, %dma_start3A_198] : memref<2x10000x128xf32, #tpu.memory_space<hbm>> -> memref<1x80x128xf32, #tpu.memory_space<hbm>>
      %dma_start3A_200 = tpu.memref_squeeze %dma_start3A_199 : memref<1x80x128xf32, #tpu.memory_space<hbm>> -> memref<80x128xf32, #tpu.memory_space<hbm>>
      %dma_start3A_201 = arith.constant 0 : i32
      %dma_start3A_202 = arith.constant 0 : i32
      %dma_start3A_203 = tpu.memref_slice %arg10[%dma_start3A_201, %dma_start3A_202] : memref<88x128xf32, #tpu.memory_space<vmem>> -> memref<80x128xf32, #tpu.memory_space<vmem>>
      tpu.enqueue_dma source(%dma_start3A_203 : memref<80x128xf32, #tpu.memory_space<vmem>>) target(%dma_start3A_200 : memref<80x128xf32, #tpu.memory_space<hbm>>) target_semaphore(%arg23 : memref<!tpu.dma_semaphore, #tpu.memory_space<semaphore_mem>>)
    } else {
    }
    %add3A_118 = arith.constant 64 : i32
    %add3A_119 = arith.addi %arg1, %add3A_118 : i32
    %lt3A_120 = arith.constant 125 : i32
    %lt3A_121 = arith.cmpi slt, %add3A_119, %lt3A_120 : i32
    %convert_element_type3A_122 = arith.extui %lt3A_121 : i1 to i32
    %cond3A_123 = arith.constant 0 : i32
    %cond3A_124 = arith.cmpi ne, %convert_element_type3A_122, %cond3A_123 : i32
    scf.if %cond3A_124 {
      %mul3A_174 = arith.constant 80 : i32
      %mul3A_175 = arith.muli %add3A_119, %mul3A_174 : i32
      %dma_wait3A_176 = arith.constant 0 : i32
      %dma_wait3A_177 = arith.constant 0 : i32
      %dma_wait3A_178 = tpu.memref_slice %arg9[%dma_wait3A_176, %dma_wait3A_177] : memref<88x128xf32, #tpu.memory_space<vmem>> -> memref<80x128xf32, #tpu.memory_space<vmem>>
      %dma_wait3A_179 = arith.constant 0 : i32
      %dma_wait3A_180 = tpu.memref_slice %arg5[%arg0, %mul3A_175, %dma_wait3A_179] : memref<2x10000x128xf32, #tpu.memory_space<hbm>> -> memref<1x80x128xf32, #tpu.memory_space<hbm>>
      %dma_wait3A_181 = tpu.memref_squeeze %dma_wait3A_180 : memref<1x80x128xf32, #tpu.memory_space<hbm>> -> memref<80x128xf32, #tpu.memory_space<hbm>>
      %dma_wait3A_182 = arith.constant 0 : i32
      %dma_wait3A_183 = tpu.memref_slice %arg5[%arg0, %mul3A_175, %dma_wait3A_182] : memref<2x10000x128xf32, #tpu.memory_space<hbm>> -> memref<1x80x128xf32, #tpu.memory_space<hbm>>
      %dma_wait3A_184 = tpu.memref_squeeze %dma_wait3A_183 : memref<1x80x128xf32, #tpu.memory_space<hbm>> -> memref<80x128xf32, #tpu.memory_space<hbm>>
      %dma_wait3A_185 = arith.constant 0 : i32
      %dma_wait3A_186 = arith.constant 0 : i32
      %dma_wait3A_187 = tpu.memref_slice %arg9[%dma_wait3A_185, %dma_wait3A_186] : memref<88x128xf32, #tpu.memory_space<vmem>> -> memref<80x128xf32, #tpu.memory_space<vmem>>
      tpu.wait_dma2 semaphore(%arg22 : memref<!tpu.dma_semaphore, #tpu.memory_space<semaphore_mem>>) src(%dma_wait3A_187 : memref<80x128xf32, #tpu.memory_space<vmem>>) dst(%dma_wait3A_184 : memref<80x128xf32, #tpu.memory_space<hbm>>)
      %mul3A_188 = arith.constant 80 : i32
      %mul3A_189 = arith.muli %add3A_119, %mul3A_188 : i32
      "tpu.region"() ({
        %run_scoped3A = tpu.sem_alloc : memref<!tpu.dma_semaphore, #tpu.memory_space<semaphore_mem>>
        %dma_start3A_204 = arith.constant 0 : i32
        %dma_start3A_205 = arith.constant 0 : i32
        %dma_start3A_206 = tpu.memref_slice %arg9[%dma_start3A_204, %dma_start3A_205] : memref<88x128xf32, #tpu.memory_space<vmem>> -> memref<80x128xf32, #tpu.memory_space<vmem>>
        %dma_start3A_207 = arith.constant 0 : i32
        %dma_start3A_208 = tpu.memref_slice %arg6[%mul3A_189, %dma_start3A_207] : memref<10120x128xf32, #tpu.memory_space<vmem_shared>> -> memref<80x128xf32, #tpu.memory_space<vmem_shared>>
        %dma_start3A_209 = arith.constant 0 : i32
        %dma_start3A_210 = arith.constant 0 : i32
        %dma_start3A_211 = tpu.memref_slice %arg9[%dma_start3A_209, %dma_start3A_210] : memref<88x128xf32, #tpu.memory_space<vmem>> -> memref<80x128xf32, #tpu.memory_space<vmem>>
        %dma_start3A_212 = arith.constant 0 : i32
        %dma_start3A_213 = tpu.memref_slice %arg6[%mul3A_189, %dma_start3A_212] : memref<10120x128xf32, #tpu.memory_space<vmem_shared>> -> memref<80x128xf32, #tpu.memory_space<vmem_shared>>
        tpu.enqueue_dma source(%dma_start3A_213 : memref<80x128xf32, #tpu.memory_space<vmem_shared>>) target(%dma_start3A_211 : memref<80x128xf32, #tpu.memory_space<vmem>>) target_semaphore(%run_scoped3A : memref<!tpu.dma_semaphore, #tpu.memory_space<semaphore_mem>>)
        %dma_wait3A_214 = arith.constant 0 : i32
        %dma_wait3A_215 = arith.constant 0 : i32
        %dma_wait3A_216 = tpu.memref_slice %arg9[%dma_wait3A_214, %dma_wait3A_215] : memref<88x128xf32, #tpu.memory_space<vmem>> -> memref<80x128xf32, #tpu.memory_space<vmem>>
        %dma_wait3A_217 = arith.constant 0 : i32
        %dma_wait3A_218 = tpu.memref_slice %arg6[%mul3A_189, %dma_wait3A_217] : memref<10120x128xf32, #tpu.memory_space<vmem_shared>> -> memref<80x128xf32, #tpu.memory_space<vmem_shared>>
        %dma_wait3A_219 = arith.constant 0 : i32
        %dma_wait3A_220 = arith.constant 0 : i32
        %dma_wait3A_221 = tpu.memref_slice %arg9[%dma_wait3A_219, %dma_wait3A_220] : memref<88x128xf32, #tpu.memory_space<vmem>> -> memref<80x128xf32, #tpu.memory_space<vmem>>
        %dma_wait3A_222 = arith.constant 0 : i32
        %dma_wait3A_223 = tpu.memref_slice %arg6[%mul3A_189, %dma_wait3A_222] : memref<10120x128xf32, #tpu.memory_space<vmem_shared>> -> memref<80x128xf32, #tpu.memory_space<vmem_shared>>
        tpu.wait_dma2 semaphore(%run_scoped3A : memref<!tpu.dma_semaphore, #tpu.memory_space<semaphore_mem>>) src(%dma_wait3A_223 : memref<80x128xf32, #tpu.memory_space<vmem_shared>>) dst(%dma_wait3A_221 : memref<80x128xf32, #tpu.memory_space<vmem>>)
        tpu.yield
      }) : () -> ()
      %mul3A_190 = arith.constant 80 : i32
      %mul3A_191 = arith.muli %add3A_119, %mul3A_190 : i32
      %dma_start3A_192 = arith.constant 0 : i32
      %dma_start3A_193 = arith.constant 0 : i32
      %dma_start3A_194 = tpu.memref_slice %arg9[%dma_start3A_192, %dma_start3A_193] : memref<88x128xf32, #tpu.memory_space<vmem>> -> memref<80x128xf32, #tpu.memory_space<vmem>>
      %dma_start3A_195 = arith.constant 0 : i32
      %dma_start3A_196 = tpu.memref_slice %arg5[%arg0, %mul3A_191, %dma_start3A_195] : memref<2x10000x128xf32, #tpu.memory_space<hbm>> -> memref<1x80x128xf32, #tpu.memory_space<hbm>>
      %dma_start3A_197 = tpu.memref_squeeze %dma_start3A_196 : memref<1x80x128xf32, #tpu.memory_space<hbm>> -> memref<80x128xf32, #tpu.memory_space<hbm>>
      %dma_start3A_198 = arith.constant 0 : i32
      %dma_start3A_199 = tpu.memref_slice %arg5[%arg0, %mul3A_191, %dma_start3A_198] : memref<2x10000x128xf32, #tpu.memory_space<hbm>> -> memref<1x80x128xf32, #tpu.memory_space<hbm>>
      %dma_start3A_200 = tpu.memref_squeeze %dma_start3A_199 : memref<1x80x128xf32, #tpu.memory_space<hbm>> -> memref<80x128xf32, #tpu.memory_space<hbm>>
      %dma_start3A_201 = arith.constant 0 : i32
      %dma_start3A_202 = arith.constant 0 : i32
      %dma_start3A_203 = tpu.memref_slice %arg9[%dma_start3A_201, %dma_start3A_202] : memref<88x128xf32, #tpu.memory_space<vmem>> -> memref<80x128xf32, #tpu.memory_space<vmem>>
      tpu.enqueue_dma source(%dma_start3A_203 : memref<80x128xf32, #tpu.memory_space<vmem>>) target(%dma_start3A_200 : memref<80x128xf32, #tpu.memory_space<hbm>>) target_semaphore(%arg22 : memref<!tpu.dma_semaphore, #tpu.memory_space<semaphore_mem>>)
    } else {
    }
    %add3A_125 = arith.constant 80 : i32
    %add3A_126 = arith.addi %arg1, %add3A_125 : i32
    %lt3A_127 = arith.constant 125 : i32
    %lt3A_128 = arith.cmpi slt, %add3A_126, %lt3A_127 : i32
    %convert_element_type3A_129 = arith.extui %lt3A_128 : i1 to i32
    %cond3A_130 = arith.constant 0 : i32
    %cond3A_131 = arith.cmpi ne, %convert_element_type3A_129, %cond3A_130 : i32
    scf.if %cond3A_131 {
      %mul3A_174 = arith.constant 80 : i32
      %mul3A_175 = arith.muli %add3A_126, %mul3A_174 : i32
      %dma_wait3A_176 = arith.constant 0 : i32
      %dma_wait3A_177 = arith.constant 0 : i32
      %dma_wait3A_178 = tpu.memref_slice %arg10[%dma_wait3A_176, %dma_wait3A_177] : memref<88x128xf32, #tpu.memory_space<vmem>> -> memref<80x128xf32, #tpu.memory_space<vmem>>
      %dma_wait3A_179 = arith.constant 0 : i32
      %dma_wait3A_180 = tpu.memref_slice %arg5[%arg0, %mul3A_175, %dma_wait3A_179] : memref<2x10000x128xf32, #tpu.memory_space<hbm>> -> memref<1x80x128xf32, #tpu.memory_space<hbm>>
      %dma_wait3A_181 = tpu.memref_squeeze %dma_wait3A_180 : memref<1x80x128xf32, #tpu.memory_space<hbm>> -> memref<80x128xf32, #tpu.memory_space<hbm>>
      %dma_wait3A_182 = arith.constant 0 : i32
      %dma_wait3A_183 = tpu.memref_slice %arg5[%arg0, %mul3A_175, %dma_wait3A_182] : memref<2x10000x128xf32, #tpu.memory_space<hbm>> -> memref<1x80x128xf32, #tpu.memory_space<hbm>>
      %dma_wait3A_184 = tpu.memref_squeeze %dma_wait3A_183 : memref<1x80x128xf32, #tpu.memory_space<hbm>> -> memref<80x128xf32, #tpu.memory_space<hbm>>
      %dma_wait3A_185 = arith.constant 0 : i32
      %dma_wait3A_186 = arith.constant 0 : i32
      %dma_wait3A_187 = tpu.memref_slice %arg10[%dma_wait3A_185, %dma_wait3A_186] : memref<88x128xf32, #tpu.memory_space<vmem>> -> memref<80x128xf32, #tpu.memory_space<vmem>>
      tpu.wait_dma2 semaphore(%arg23 : memref<!tpu.dma_semaphore, #tpu.memory_space<semaphore_mem>>) src(%dma_wait3A_187 : memref<80x128xf32, #tpu.memory_space<vmem>>) dst(%dma_wait3A_184 : memref<80x128xf32, #tpu.memory_space<hbm>>)
      %mul3A_188 = arith.constant 80 : i32
      %mul3A_189 = arith.muli %add3A_126, %mul3A_188 : i32
      "tpu.region"() ({
        %run_scoped3A = tpu.sem_alloc : memref<!tpu.dma_semaphore, #tpu.memory_space<semaphore_mem>>
        %dma_start3A_204 = arith.constant 0 : i32
        %dma_start3A_205 = arith.constant 0 : i32
        %dma_start3A_206 = tpu.memref_slice %arg10[%dma_start3A_204, %dma_start3A_205] : memref<88x128xf32, #tpu.memory_space<vmem>> -> memref<80x128xf32, #tpu.memory_space<vmem>>
        %dma_start3A_207 = arith.constant 0 : i32
        %dma_start3A_208 = tpu.memref_slice %arg6[%mul3A_189, %dma_start3A_207] : memref<10120x128xf32, #tpu.memory_space<vmem_shared>> -> memref<80x128xf32, #tpu.memory_space<vmem_shared>>
        %dma_start3A_209 = arith.constant 0 : i32
        %dma_start3A_210 = arith.constant 0 : i32
        %dma_start3A_211 = tpu.memref_slice %arg10[%dma_start3A_209, %dma_start3A_210] : memref<88x128xf32, #tpu.memory_space<vmem>> -> memref<80x128xf32, #tpu.memory_space<vmem>>
        %dma_start3A_212 = arith.constant 0 : i32
        %dma_start3A_213 = tpu.memref_slice %arg6[%mul3A_189, %dma_start3A_212] : memref<10120x128xf32, #tpu.memory_space<vmem_shared>> -> memref<80x128xf32, #tpu.memory_space<vmem_shared>>
        tpu.enqueue_dma source(%dma_start3A_213 : memref<80x128xf32, #tpu.memory_space<vmem_shared>>) target(%dma_start3A_211 : memref<80x128xf32, #tpu.memory_space<vmem>>) target_semaphore(%run_scoped3A : memref<!tpu.dma_semaphore, #tpu.memory_space<semaphore_mem>>)
        %dma_wait3A_214 = arith.constant 0 : i32
        %dma_wait3A_215 = arith.constant 0 : i32
        %dma_wait3A_216 = tpu.memref_slice %arg10[%dma_wait3A_214, %dma_wait3A_215] : memref<88x128xf32, #tpu.memory_space<vmem>> -> memref<80x128xf32, #tpu.memory_space<vmem>>
        %dma_wait3A_217 = arith.constant 0 : i32
        %dma_wait3A_218 = tpu.memref_slice %arg6[%mul3A_189, %dma_wait3A_217] : memref<10120x128xf32, #tpu.memory_space<vmem_shared>> -> memref<80x128xf32, #tpu.memory_space<vmem_shared>>
        %dma_wait3A_219 = arith.constant 0 : i32
        %dma_wait3A_220 = arith.constant 0 : i32
        %dma_wait3A_221 = tpu.memref_slice %arg10[%dma_wait3A_219, %dma_wait3A_220] : memref<88x128xf32, #tpu.memory_space<vmem>> -> memref<80x128xf32, #tpu.memory_space<vmem>>
        %dma_wait3A_222 = arith.constant 0 : i32
        %dma_wait3A_223 = tpu.memref_slice %arg6[%mul3A_189, %dma_wait3A_222] : memref<10120x128xf32, #tpu.memory_space<vmem_shared>> -> memref<80x128xf32, #tpu.memory_space<vmem_shared>>
        tpu.wait_dma2 semaphore(%run_scoped3A : memref<!tpu.dma_semaphore, #tpu.memory_space<semaphore_mem>>) src(%dma_wait3A_223 : memref<80x128xf32, #tpu.memory_space<vmem_shared>>) dst(%dma_wait3A_221 : memref<80x128xf32, #tpu.memory_space<vmem>>)
        tpu.yield
      }) : () -> ()
      %mul3A_190 = arith.constant 80 : i32
      %mul3A_191 = arith.muli %add3A_126, %mul3A_190 : i32
      %dma_start3A_192 = arith.constant 0 : i32
      %dma_start3A_193 = arith.constant 0 : i32
      %dma_start3A_194 = tpu.memref_slice %arg10[%dma_start3A_192, %dma_start3A_193] : memref<88x128xf32, #tpu.memory_space<vmem>> -> memref<80x128xf32, #tpu.memory_space<vmem>>
      %dma_start3A_195 = arith.constant 0 : i32
      %dma_start3A_196 = tpu.memref_slice %arg5[%arg0, %mul3A_191, %dma_start3A_195] : memref<2x10000x128xf32, #tpu.memory_space<hbm>> -> memref<1x80x128xf32, #tpu.memory_space<hbm>>
      %dma_start3A_197 = tpu.memref_squeeze %dma_start3A_196 : memref<1x80x128xf32, #tpu.memory_space<hbm>> -> memref<80x128xf32, #tpu.memory_space<hbm>>
      %dma_start3A_198 = arith.constant 0 : i32
      %dma_start3A_199 = tpu.memref_slice %arg5[%arg0, %mul3A_191, %dma_start3A_198] : memref<2x10000x128xf32, #tpu.memory_space<hbm>> -> memref<1x80x128xf32, #tpu.memory_space<hbm>>
      %dma_start3A_200 = tpu.memref_squeeze %dma_start3A_199 : memref<1x80x128xf32, #tpu.memory_space<hbm>> -> memref<80x128xf32, #tpu.memory_space<hbm>>
      %dma_start3A_201 = arith.constant 0 : i32
      %dma_start3A_202 = arith.constant 0 : i32
      %dma_start3A_203 = tpu.memref_slice %arg10[%dma_start3A_201, %dma_start3A_202] : memref<88x128xf32, #tpu.memory_space<vmem>> -> memref<80x128xf32, #tpu.memory_space<vmem>>
      tpu.enqueue_dma source(%dma_start3A_203 : memref<80x128xf32, #tpu.memory_space<vmem>>) target(%dma_start3A_200 : memref<80x128xf32, #tpu.memory_space<hbm>>) target_semaphore(%arg23 : memref<!tpu.dma_semaphore, #tpu.memory_space<semaphore_mem>>)
    } else {
    }
    %add3A_132 = arith.constant 96 : i32
    %add3A_133 = arith.addi %arg1, %add3A_132 : i32
    %lt3A_134 = arith.constant 125 : i32
    %lt3A_135 = arith.cmpi slt, %add3A_133, %lt3A_134 : i32
    %convert_element_type3A_136 = arith.extui %lt3A_135 : i1 to i32
    %cond3A_137 = arith.constant 0 : i32
    %cond3A_138 = arith.cmpi ne, %convert_element_type3A_136, %cond3A_137 : i32
    scf.if %cond3A_138 {
      %mul3A_174 = arith.constant 80 : i32
      %mul3A_175 = arith.muli %add3A_133, %mul3A_174 : i32
      %dma_wait3A_176 = arith.constant 0 : i32
      %dma_wait3A_177 = arith.constant 0 : i32
      %dma_wait3A_178 = tpu.memref_slice %arg9[%dma_wait3A_176, %dma_wait3A_177] : memref<88x128xf32, #tpu.memory_space<vmem>> -> memref<80x128xf32, #tpu.memory_space<vmem>>
      %dma_wait3A_179 = arith.constant 0 : i32
      %dma_wait3A_180 = tpu.memref_slice %arg5[%arg0, %mul3A_175, %dma_wait3A_179] : memref<2x10000x128xf32, #tpu.memory_space<hbm>> -> memref<1x80x128xf32, #tpu.memory_space<hbm>>
      %dma_wait3A_181 = tpu.memref_squeeze %dma_wait3A_180 : memref<1x80x128xf32, #tpu.memory_space<hbm>> -> memref<80x128xf32, #tpu.memory_space<hbm>>
      %dma_wait3A_182 = arith.constant 0 : i32
      %dma_wait3A_183 = tpu.memref_slice %arg5[%arg0, %mul3A_175, %dma_wait3A_182] : memref<2x10000x128xf32, #tpu.memory_space<hbm>> -> memref<1x80x128xf32, #tpu.memory_space<hbm>>
      %dma_wait3A_184 = tpu.memref_squeeze %dma_wait3A_183 : memref<1x80x128xf32, #tpu.memory_space<hbm>> -> memref<80x128xf32, #tpu.memory_space<hbm>>
      %dma_wait3A_185 = arith.constant 0 : i32
      %dma_wait3A_186 = arith.constant 0 : i32
      %dma_wait3A_187 = tpu.memref_slice %arg9[%dma_wait3A_185, %dma_wait3A_186] : memref<88x128xf32, #tpu.memory_space<vmem>> -> memref<80x128xf32, #tpu.memory_space<vmem>>
      tpu.wait_dma2 semaphore(%arg22 : memref<!tpu.dma_semaphore, #tpu.memory_space<semaphore_mem>>) src(%dma_wait3A_187 : memref<80x128xf32, #tpu.memory_space<vmem>>) dst(%dma_wait3A_184 : memref<80x128xf32, #tpu.memory_space<hbm>>)
      %mul3A_188 = arith.constant 80 : i32
      %mul3A_189 = arith.muli %add3A_133, %mul3A_188 : i32
      "tpu.region"() ({
        %run_scoped3A = tpu.sem_alloc : memref<!tpu.dma_semaphore, #tpu.memory_space<semaphore_mem>>
        %dma_start3A_204 = arith.constant 0 : i32
        %dma_start3A_205 = arith.constant 0 : i32
        %dma_start3A_206 = tpu.memref_slice %arg9[%dma_start3A_204, %dma_start3A_205] : memref<88x128xf32, #tpu.memory_space<vmem>> -> memref<80x128xf32, #tpu.memory_space<vmem>>
        %dma_start3A_207 = arith.constant 0 : i32
        %dma_start3A_208 = tpu.memref_slice %arg6[%mul3A_189, %dma_start3A_207] : memref<10120x128xf32, #tpu.memory_space<vmem_shared>> -> memref<80x128xf32, #tpu.memory_space<vmem_shared>>
        %dma_start3A_209 = arith.constant 0 : i32
        %dma_start3A_210 = arith.constant 0 : i32
        %dma_start3A_211 = tpu.memref_slice %arg9[%dma_start3A_209, %dma_start3A_210] : memref<88x128xf32, #tpu.memory_space<vmem>> -> memref<80x128xf32, #tpu.memory_space<vmem>>
        %dma_start3A_212 = arith.constant 0 : i32
        %dma_start3A_213 = tpu.memref_slice %arg6[%mul3A_189, %dma_start3A_212] : memref<10120x128xf32, #tpu.memory_space<vmem_shared>> -> memref<80x128xf32, #tpu.memory_space<vmem_shared>>
        tpu.enqueue_dma source(%dma_start3A_213 : memref<80x128xf32, #tpu.memory_space<vmem_shared>>) target(%dma_start3A_211 : memref<80x128xf32, #tpu.memory_space<vmem>>) target_semaphore(%run_scoped3A : memref<!tpu.dma_semaphore, #tpu.memory_space<semaphore_mem>>)
        %dma_wait3A_214 = arith.constant 0 : i32
        %dma_wait3A_215 = arith.constant 0 : i32
        %dma_wait3A_216 = tpu.memref_slice %arg9[%dma_wait3A_214, %dma_wait3A_215] : memref<88x128xf32, #tpu.memory_space<vmem>> -> memref<80x128xf32, #tpu.memory_space<vmem>>
        %dma_wait3A_217 = arith.constant 0 : i32
        %dma_wait3A_218 = tpu.memref_slice %arg6[%mul3A_189, %dma_wait3A_217] : memref<10120x128xf32, #tpu.memory_space<vmem_shared>> -> memref<80x128xf32, #tpu.memory_space<vmem_shared>>
        %dma_wait3A_219 = arith.constant 0 : i32
        %dma_wait3A_220 = arith.constant 0 : i32
        %dma_wait3A_221 = tpu.memref_slice %arg9[%dma_wait3A_219, %dma_wait3A_220] : memref<88x128xf32, #tpu.memory_space<vmem>> -> memref<80x128xf32, #tpu.memory_space<vmem>>
        %dma_wait3A_222 = arith.constant 0 : i32
        %dma_wait3A_223 = tpu.memref_slice %arg6[%mul3A_189, %dma_wait3A_222] : memref<10120x128xf32, #tpu.memory_space<vmem_shared>> -> memref<80x128xf32, #tpu.memory_space<vmem_shared>>
        tpu.wait_dma2 semaphore(%run_scoped3A : memref<!tpu.dma_semaphore, #tpu.memory_space<semaphore_mem>>) src(%dma_wait3A_223 : memref<80x128xf32, #tpu.memory_space<vmem_shared>>) dst(%dma_wait3A_221 : memref<80x128xf32, #tpu.memory_space<vmem>>)
        tpu.yield
      }) : () -> ()
      %mul3A_190 = arith.constant 80 : i32
      %mul3A_191 = arith.muli %add3A_133, %mul3A_190 : i32
      %dma_start3A_192 = arith.constant 0 : i32
      %dma_start3A_193 = arith.constant 0 : i32
      %dma_start3A_194 = tpu.memref_slice %arg9[%dma_start3A_192, %dma_start3A_193] : memref<88x128xf32, #tpu.memory_space<vmem>> -> memref<80x128xf32, #tpu.memory_space<vmem>>
      %dma_start3A_195 = arith.constant 0 : i32
      %dma_start3A_196 = tpu.memref_slice %arg5[%arg0, %mul3A_191, %dma_start3A_195] : memref<2x10000x128xf32, #tpu.memory_space<hbm>> -> memref<1x80x128xf32, #tpu.memory_space<hbm>>
      %dma_start3A_197 = tpu.memref_squeeze %dma_start3A_196 : memref<1x80x128xf32, #tpu.memory_space<hbm>> -> memref<80x128xf32, #tpu.memory_space<hbm>>
      %dma_start3A_198 = arith.constant 0 : i32
      %dma_start3A_199 = tpu.memref_slice %arg5[%arg0, %mul3A_191, %dma_start3A_198] : memref<2x10000x128xf32, #tpu.memory_space<hbm>> -> memref<1x80x128xf32, #tpu.memory_space<hbm>>
      %dma_start3A_200 = tpu.memref_squeeze %dma_start3A_199 : memref<1x80x128xf32, #tpu.memory_space<hbm>> -> memref<80x128xf32, #tpu.memory_space<hbm>>
      %dma_start3A_201 = arith.constant 0 : i32
      %dma_start3A_202 = arith.constant 0 : i32
      %dma_start3A_203 = tpu.memref_slice %arg9[%dma_start3A_201, %dma_start3A_202] : memref<88x128xf32, #tpu.memory_space<vmem>> -> memref<80x128xf32, #tpu.memory_space<vmem>>
      tpu.enqueue_dma source(%dma_start3A_203 : memref<80x128xf32, #tpu.memory_space<vmem>>) target(%dma_start3A_200 : memref<80x128xf32, #tpu.memory_space<hbm>>) target_semaphore(%arg22 : memref<!tpu.dma_semaphore, #tpu.memory_space<semaphore_mem>>)
    } else {
    }
    %add3A_139 = arith.constant 112 : i32
    %add3A_140 = arith.addi %arg1, %add3A_139 : i32
    %lt3A_141 = arith.constant 125 : i32
    %lt3A_142 = arith.cmpi slt, %add3A_140, %lt3A_141 : i32
    %convert_element_type3A_143 = arith.extui %lt3A_142 : i1 to i32
    %cond3A_144 = arith.constant 0 : i32
    %cond3A_145 = arith.cmpi ne, %convert_element_type3A_143, %cond3A_144 : i32
    scf.if %cond3A_145 {
      %mul3A_174 = arith.constant 80 : i32
      %mul3A_175 = arith.muli %add3A_140, %mul3A_174 : i32
      %dma_wait3A_176 = arith.constant 0 : i32
      %dma_wait3A_177 = arith.constant 0 : i32
      %dma_wait3A_178 = tpu.memref_slice %arg10[%dma_wait3A_176, %dma_wait3A_177] : memref<88x128xf32, #tpu.memory_space<vmem>> -> memref<80x128xf32, #tpu.memory_space<vmem>>
      %dma_wait3A_179 = arith.constant 0 : i32
      %dma_wait3A_180 = tpu.memref_slice %arg5[%arg0, %mul3A_175, %dma_wait3A_179] : memref<2x10000x128xf32, #tpu.memory_space<hbm>> -> memref<1x80x128xf32, #tpu.memory_space<hbm>>
      %dma_wait3A_181 = tpu.memref_squeeze %dma_wait3A_180 : memref<1x80x128xf32, #tpu.memory_space<hbm>> -> memref<80x128xf32, #tpu.memory_space<hbm>>
      %dma_wait3A_182 = arith.constant 0 : i32
      %dma_wait3A_183 = tpu.memref_slice %arg5[%arg0, %mul3A_175, %dma_wait3A_182] : memref<2x10000x128xf32, #tpu.memory_space<hbm>> -> memref<1x80x128xf32, #tpu.memory_space<hbm>>
      %dma_wait3A_184 = tpu.memref_squeeze %dma_wait3A_183 : memref<1x80x128xf32, #tpu.memory_space<hbm>> -> memref<80x128xf32, #tpu.memory_space<hbm>>
      %dma_wait3A_185 = arith.constant 0 : i32
      %dma_wait3A_186 = arith.constant 0 : i32
      %dma_wait3A_187 = tpu.memref_slice %arg10[%dma_wait3A_185, %dma_wait3A_186] : memref<88x128xf32, #tpu.memory_space<vmem>> -> memref<80x128xf32, #tpu.memory_space<vmem>>
      tpu.wait_dma2 semaphore(%arg23 : memref<!tpu.dma_semaphore, #tpu.memory_space<semaphore_mem>>) src(%dma_wait3A_187 : memref<80x128xf32, #tpu.memory_space<vmem>>) dst(%dma_wait3A_184 : memref<80x128xf32, #tpu.memory_space<hbm>>)
      %mul3A_188 = arith.constant 80 : i32
      %mul3A_189 = arith.muli %add3A_140, %mul3A_188 : i32
      "tpu.region"() ({
        %run_scoped3A = tpu.sem_alloc : memref<!tpu.dma_semaphore, #tpu.memory_space<semaphore_mem>>
        %dma_start3A_204 = arith.constant 0 : i32
        %dma_start3A_205 = arith.constant 0 : i32
        %dma_start3A_206 = tpu.memref_slice %arg10[%dma_start3A_204, %dma_start3A_205] : memref<88x128xf32, #tpu.memory_space<vmem>> -> memref<80x128xf32, #tpu.memory_space<vmem>>
        %dma_start3A_207 = arith.constant 0 : i32
        %dma_start3A_208 = tpu.memref_slice %arg6[%mul3A_189, %dma_start3A_207] : memref<10120x128xf32, #tpu.memory_space<vmem_shared>> -> memref<80x128xf32, #tpu.memory_space<vmem_shared>>
        %dma_start3A_209 = arith.constant 0 : i32
        %dma_start3A_210 = arith.constant 0 : i32
        %dma_start3A_211 = tpu.memref_slice %arg10[%dma_start3A_209, %dma_start3A_210] : memref<88x128xf32, #tpu.memory_space<vmem>> -> memref<80x128xf32, #tpu.memory_space<vmem>>
        %dma_start3A_212 = arith.constant 0 : i32
        %dma_start3A_213 = tpu.memref_slice %arg6[%mul3A_189, %dma_start3A_212] : memref<10120x128xf32, #tpu.memory_space<vmem_shared>> -> memref<80x128xf32, #tpu.memory_space<vmem_shared>>
        tpu.enqueue_dma source(%dma_start3A_213 : memref<80x128xf32, #tpu.memory_space<vmem_shared>>) target(%dma_start3A_211 : memref<80x128xf32, #tpu.memory_space<vmem>>) target_semaphore(%run_scoped3A : memref<!tpu.dma_semaphore, #tpu.memory_space<semaphore_mem>>)
        %dma_wait3A_214 = arith.constant 0 : i32
        %dma_wait3A_215 = arith.constant 0 : i32
        %dma_wait3A_216 = tpu.memref_slice %arg10[%dma_wait3A_214, %dma_wait3A_215] : memref<88x128xf32, #tpu.memory_space<vmem>> -> memref<80x128xf32, #tpu.memory_space<vmem>>
        %dma_wait3A_217 = arith.constant 0 : i32
        %dma_wait3A_218 = tpu.memref_slice %arg6[%mul3A_189, %dma_wait3A_217] : memref<10120x128xf32, #tpu.memory_space<vmem_shared>> -> memref<80x128xf32, #tpu.memory_space<vmem_shared>>
        %dma_wait3A_219 = arith.constant 0 : i32
        %dma_wait3A_220 = arith.constant 0 : i32
        %dma_wait3A_221 = tpu.memref_slice %arg10[%dma_wait3A_219, %dma_wait3A_220] : memref<88x128xf32, #tpu.memory_space<vmem>> -> memref<80x128xf32, #tpu.memory_space<vmem>>
        %dma_wait3A_222 = arith.constant 0 : i32
        %dma_wait3A_223 = tpu.memref_slice %arg6[%mul3A_189, %dma_wait3A_222] : memref<10120x128xf32, #tpu.memory_space<vmem_shared>> -> memref<80x128xf32, #tpu.memory_space<vmem_shared>>
        tpu.wait_dma2 semaphore(%run_scoped3A : memref<!tpu.dma_semaphore, #tpu.memory_space<semaphore_mem>>) src(%dma_wait3A_223 : memref<80x128xf32, #tpu.memory_space<vmem_shared>>) dst(%dma_wait3A_221 : memref<80x128xf32, #tpu.memory_space<vmem>>)
        tpu.yield
      }) : () -> ()
      %mul3A_190 = arith.constant 80 : i32
      %mul3A_191 = arith.muli %add3A_140, %mul3A_190 : i32
      %dma_start3A_192 = arith.constant 0 : i32
      %dma_start3A_193 = arith.constant 0 : i32
      %dma_start3A_194 = tpu.memref_slice %arg10[%dma_start3A_192, %dma_start3A_193] : memref<88x128xf32, #tpu.memory_space<vmem>> -> memref<80x128xf32, #tpu.memory_space<vmem>>
      %dma_start3A_195 = arith.constant 0 : i32
      %dma_start3A_196 = tpu.memref_slice %arg5[%arg0, %mul3A_191, %dma_start3A_195] : memref<2x10000x128xf32, #tpu.memory_space<hbm>> -> memref<1x80x128xf32, #tpu.memory_space<hbm>>
      %dma_start3A_197 = tpu.memref_squeeze %dma_start3A_196 : memref<1x80x128xf32, #tpu.memory_space<hbm>> -> memref<80x128xf32, #tpu.memory_space<hbm>>
      %dma_start3A_198 = arith.constant 0 : i32
      %dma_start3A_199 = tpu.memref_slice %arg5[%arg0, %mul3A_191, %dma_start3A_198] : memref<2x10000x128xf32, #tpu.memory_space<hbm>> -> memref<1x80x128xf32, #tpu.memory_space<hbm>>
      %dma_start3A_200 = tpu.memref_squeeze %dma_start3A_199 : memref<1x80x128xf32, #tpu.memory_space<hbm>> -> memref<80x128xf32, #tpu.memory_space<hbm>>
      %dma_start3A_201 = arith.constant 0 : i32
      %dma_start3A_202 = arith.constant 0 : i32
      %dma_start3A_203 = tpu.memref_slice %arg10[%dma_start3A_201, %dma_start3A_202] : memref<88x128xf32, #tpu.memory_space<vmem>> -> memref<80x128xf32, #tpu.memory_space<vmem>>
      tpu.enqueue_dma source(%dma_start3A_203 : memref<80x128xf32, #tpu.memory_space<vmem>>) target(%dma_start3A_200 : memref<80x128xf32, #tpu.memory_space<hbm>>) target_semaphore(%arg23 : memref<!tpu.dma_semaphore, #tpu.memory_space<semaphore_mem>>)
    } else {
    }
    %dma_wait3A_146 = arith.constant 0 : i32
    %dma_wait3A_147 = arith.constant 0 : i32
    %dma_wait3A_148 = tpu.memref_slice %arg9[%dma_wait3A_146, %dma_wait3A_147] : memref<88x128xf32, #tpu.memory_space<vmem>> -> memref<80x128xf32, #tpu.memory_space<vmem>>
    %dma_wait3A_149 = arith.constant 0 : i32
    %dma_wait3A_150 = arith.constant 0 : i32
    %dma_wait3A_151 = tpu.memref_slice %arg5[%arg0, %dma_wait3A_149, %dma_wait3A_150] : memref<2x10000x128xf32, #tpu.memory_space<hbm>> -> memref<1x80x128xf32, #tpu.memory_space<hbm>>
    %dma_wait3A_152 = tpu.memref_squeeze %dma_wait3A_151 : memref<1x80x128xf32, #tpu.memory_space<hbm>> -> memref<80x128xf32, #tpu.memory_space<hbm>>
    %dma_wait3A_153 = arith.constant 0 : i32
    %dma_wait3A_154 = arith.constant 0 : i32
    %dma_wait3A_155 = tpu.memref_slice %arg5[%arg0, %dma_wait3A_153, %dma_wait3A_154] : memref<2x10000x128xf32, #tpu.memory_space<hbm>> -> memref<1x80x128xf32, #tpu.memory_space<hbm>>
    %dma_wait3A_156 = tpu.memref_squeeze %dma_wait3A_155 : memref<1x80x128xf32, #tpu.memory_space<hbm>> -> memref<80x128xf32, #tpu.memory_space<hbm>>
    %dma_wait3A_157 = arith.constant 0 : i32
    %dma_wait3A_158 = arith.constant 0 : i32
    %dma_wait3A_159 = tpu.memref_slice %arg9[%dma_wait3A_157, %dma_wait3A_158] : memref<88x128xf32, #tpu.memory_space<vmem>> -> memref<80x128xf32, #tpu.memory_space<vmem>>
    tpu.wait_dma2 semaphore(%arg22 : memref<!tpu.dma_semaphore, #tpu.memory_space<semaphore_mem>>) src(%dma_wait3A_159 : memref<80x128xf32, #tpu.memory_space<vmem>>) dst(%dma_wait3A_156 : memref<80x128xf32, #tpu.memory_space<hbm>>)
    %dma_wait3A_160 = arith.constant 0 : i32
    %dma_wait3A_161 = arith.constant 0 : i32
    %dma_wait3A_162 = tpu.memref_slice %arg10[%dma_wait3A_160, %dma_wait3A_161] : memref<88x128xf32, #tpu.memory_space<vmem>> -> memref<80x128xf32, #tpu.memory_space<vmem>>
    %dma_wait3A_163 = arith.constant 0 : i32
    %dma_wait3A_164 = arith.constant 0 : i32
    %dma_wait3A_165 = tpu.memref_slice %arg5[%arg0, %dma_wait3A_163, %dma_wait3A_164] : memref<2x10000x128xf32, #tpu.memory_space<hbm>> -> memref<1x80x128xf32, #tpu.memory_space<hbm>>
    %dma_wait3A_166 = tpu.memref_squeeze %dma_wait3A_165 : memref<1x80x128xf32, #tpu.memory_space<hbm>> -> memref<80x128xf32, #tpu.memory_space<hbm>>
    %dma_wait3A_167 = arith.constant 0 : i32
    %dma_wait3A_168 = arith.constant 0 : i32
    %dma_wait3A_169 = tpu.memref_slice %arg5[%arg0, %dma_wait3A_167, %dma_wait3A_168] : memref<2x10000x128xf32, #tpu.memory_space<hbm>> -> memref<1x80x128xf32, #tpu.memory_space<hbm>>
    %dma_wait3A_170 = tpu.memref_squeeze %dma_wait3A_169 : memref<1x80x128xf32, #tpu.memory_space<hbm>> -> memref<80x128xf32, #tpu.memory_space<hbm>>
    %dma_wait3A_171 = arith.constant 0 : i32
    %dma_wait3A_172 = arith.constant 0 : i32
    %dma_wait3A_173 = tpu.memref_slice %arg10[%dma_wait3A_171, %dma_wait3A_172] : memref<88x128xf32, #tpu.memory_space<vmem>> -> memref<80x128xf32, #tpu.memory_space<vmem>>
    tpu.wait_dma2 semaphore(%arg23 : memref<!tpu.dma_semaphore, #tpu.memory_space<semaphore_mem>>) src(%dma_wait3A_173 : memref<80x128xf32, #tpu.memory_space<vmem>>) dst(%dma_wait3A_170 : memref<80x128xf32, #tpu.memory_space<hbm>>)
    return
  }
}

module attributes {stable_mosaic.version = 14 : i64} {
  func.func @_add_body(%arg0: i32, %arg1: memref<1x5000x128xf32, #tpu.memory_space<vmem>>, %arg2: memref<1x5000x128xf32, #tpu.memory_space<vmem>>, %arg3: memref<5000x128xf32, #tpu.memory_space<vmem>>) attributes {dimension_semantics = [#tpu.dimension_semantics<arbitrary>], iteration_bounds = array<i64: 2>, scalar_prefetch = 0 : i64, scratch_operands = 0 : i64, tpu.core_type = #tpu.core_type<tc>, window_params = [{transform_indices = @transform_0, window_bounds = array<i64: 1, 5000, 128>}, {transform_indices = @transform_1, window_bounds = array<i64: 1, 5000, 128>}, {transform_indices = @transform_2, window_bounds = array<i64: 5000, 128>}]} {
    %get3A = arith.constant 0 : index
    %get3A_0 = arith.constant 0 : index
    %get3A_1 = arith.constant 0 : index
    %get3A_2 = vector.load %arg1[%get3A, %get3A_0, %get3A_1] : memref<1x5000x128xf32, #tpu.memory_space<vmem>>, vector<1x5000x128xf32>
    %get3A_3 = vector.shape_cast %get3A_2 : vector<1x5000x128xf32> to vector<5000x128xf32>
    %get3A_4 = arith.constant 0 : index
    %get3A_5 = arith.constant 0 : index
    %get3A_6 = arith.constant 0 : index
    %get3A_7 = vector.load %arg2[%get3A_4, %get3A_5, %get3A_6] : memref<1x5000x128xf32, #tpu.memory_space<vmem>>, vector<1x5000x128xf32>
    %get3A_8 = vector.shape_cast %get3A_7 : vector<1x5000x128xf32> to vector<5000x128xf32>
    %add3A = arith.addf %get3A_3, %get3A_8 : vector<5000x128xf32>
    %swap3A = arith.constant 0 : index
    %swap3A_9 = arith.constant 0 : index
    %swap3A_10 = vector.load %arg3[%swap3A, %swap3A_9] : memref<5000x128xf32, #tpu.memory_space<vmem>>, vector<5000x128xf32>
    tpu.vector_store %arg3[%swap3A, %swap3A_9], %add3A {strides = array<i32>} : memref<5000x128xf32, #tpu.memory_space<vmem>>, vector<5000x128xf32>,
    return
  }
  func.func @transform_0(%arg0: i32) -> (i32, i32, i32) {
    %c0_i32 = arith.constant 0 : i32
    %c0_i32_0 = arith.constant 0 : i32
    %c0_i32_1 = arith.constant 0 : i32
    return %c0_i32, %arg0, %c0_i32_0 : i32, i32, i32
  }
  func.func @transform_1(%arg0: i32) -> (i32, i32, i32) {
    %c1_i32 = arith.constant 1 : i32
    %c0_i32 = arith.constant 0 : i32
    %c0_i32_0 = arith.constant 0 : i32
    return %c1_i32, %arg0, %c0_i32 : i32, i32, i32
  }
  func.func @transform_2(%arg0: i32) -> (i32, i32) {
    %c0_i32 = arith.constant 0 : i32
    %c0_i32_0 = arith.constant 0 : i32
    return %arg0, %c0_i32 : i32, i32
  }
}

</mosaic_0001>

<sc_bundles>
// kernel: kernel.4.cloned.1.call-start
scs
__scs_entry_jumppad:
0x0: {  	(pc) =	sbr.rel $0x88, $3  }
0x1: {  	(tag) =	ssettag $0x0;
	lr =	simm.s32 $0x1  }
0x2: {  	[smem:$0x3F9F] =	sst lr;
	_ =	strace $0xD0000000  }
0x3: {  	_ = 	snop  }
0x4: {  	_ = 	snop  }
0x5: {  	_ = 	snop  }
0x6: {  	_ = 	snop  }
0x7: {  	_ = 	snop  }
__scs_overlays_trampoline_lowered:
0x8: {  	[smem:$0x3FAE] =	sst s0  }
0x9: {  	[smem:$0x3FAF] =	sst s1  }
0xa: {  	[smem:$0x3FB0] =	sst s2  }
0xb: {  	[smem:$0x3FB1] =	sst s3  }
0xc: {  	[smem:$0x3FB2] =	sst s4  }
0xd: {  	[smem:$0x3FB3] =	sst s5  }
0xe: {  	[smem:$0x3FB4] =	sst s6  }
0xf: {  	[smem:$0x3FB5] =	sst s7  }
0x10: {  	[smem:$0x3FB6] =	sst s8  }
0x11: {  	[smem:$0x3FB7] =	sst s9;
	s0 =	simm.s32 @!p0 $0x0  }
0x12: {  	s1 =	sld [smem:$0x3F9D];
	s0 =	simm.s32 @p0 $0x1  }
0x13: {  	[smem:$0x3FB8] =	sst s0;
	s0 =	simm.s32 @!p1 $0x0  }
0x14: {  	s2 =	sld [smem:$0x3F9C];
	s0 =	simm.s32 @p1 $0x1  }
0x15: {  	[smem:$0x3FB9] =	sst s0;
	s0 =	simm.s32 @!p2 $0x0  }
0x16: {  	s3 =	sld [smem:$0x3FDB];
	s0 =	simm.s32 @p2 $0x1  }
0x17: {  	s4 =	simm.s32 $0x1BF5;
	[smem:$0x3FBB] =	sst s0  }
0x18: {  	s0 =	sld [smem:$0x3F9E];
	_ =	swait.ge [sflag:s4], $0x0  }
0x19: {  	s7 =	sld [smem:$0x3F9F]  }
0x1a: {  	s8 =	sadd.s32 $0xFFFFE003, lr  }
0x1b: {  	s9 =	sadd.s32 $0xFFFFFEF7, lr;
	s5 =	simm.s32 $0xFFFFFFFF;
	p2 =	slt.u32 s8, $0xFFFFF086  }
0x1c: {  	p1 =	slt.u32 s9, $0xF7A;
	s5 =	simm.s32 @!p2 $0x0  }
0x1d: {  	s5 =	simm.s32 @p1 $0x1;
	p0 =	seq.s32 s7, s2  }
0x1e: {  	s7 =	smul.u32 @!p0 $0xF7A, s2;
	p2 =	seq.s32 @!p0 s5, $0x0  }
0x1f: {  	s9 =	smul.u32 $0xF7A, s1;
	s8 =	simm.s32 @!p0 $0x1BF5;
	p2 =	por !p2, p0  }
0x20: {  	[sflag:s8] =	ssyncset.s32 @!p0 $0xFFFFF086;
	s6 =	sadd.s32 @!p0 s3, s7;
	s7 =	simm.s32 @!p0 $0x108  }
0x21: {  	s3 =	sadd.s32 s3, s9;
	s6 =	sadd.s32 @!p0 $0x88, s6;
	s7 =	simm.s32 @p2 $0x1082  }
0x22: {  	[simem:s7], [sflag:s8] =	dma.local @!p0 [hbm:s6], $0xF7A  }
0x23: {  	s9 =	sor.u32 $0xD0000000, s2;
	s6 =	simm.s32 $0x108;
	_ =	swait.ge @!p0 [sflag:s8], $0x0  }
0x24: {  	s3 =	sadd.s32 $0x88, s3;
	s6 =	simm.s32 @!p1 $0x1082;
	[sflag:s4] =	ssyncset.s32 $0xFFFFF086  }
0x25: {  	[simem:s6], [sflag:s4] =	dma.local [hbm:s3], $0xF7A  }
0x26: {  	[smem:$0x3F9F] =	sst s1;
	(tag) =	ssettag s2;
	_ =	strace s9  }
0x27: {  	s1 =	sld [smem:$0x3FAF]  }
0x28: {  	s2 =	sld [smem:$0x3FB0]  }
0x29: {  	s4 =	sld [smem:$0x3FB2]  }
0x2a: {  	p0 =	seq.s32 s5, $0x0;
	s5 =	sld [smem:$0x3FB3]  }
0x2b: {  	s6 =	sld [smem:$0x3FB4]  }
0x2c: {  	s7 =	sld [smem:$0x3FB5]  }
0x2d: {  	s3 =	simm.s32 $0x108;
	s8 =	sld [smem:$0x3FB6]  }
0x2e: {  	s3 =	simm.s32 @!p0 $0x1082;
	s9 =	sld [smem:$0x3FB7]  }
0x2f: {  	lr =	sadd.s32 s0, s3;
	s0 =	sld [smem:$0x3FAE]  }
0x30: {  	s3 =	sld [smem:$0x3FB1]  }
0x31: {  	[smem:$0x3FBA] =	sst s10  }
0x32: {  	s10 =	sld [smem:$0x3FB8];
	_ =	sdelay $0x3  }
0x33: {  	p0 =	seq.s32 s10, $0x1;
	s10 =	sld [smem:$0x3FBA];
	_ =	sdelay $0x3  }
0x34: {  	[smem:$0x3FBA] =	sst s10  }
0x35: {  	s10 =	sld [smem:$0x3FB9];
	_ =	sdelay $0x3  }
0x36: {  	p1 =	seq.s32 s10, $0x1;
	s10 =	sld [smem:$0x3FBA];
	_ =	sdelay $0x3  }
0x37: {  	[smem:$0x3FBA] =	sst s10  }
0x38: {  	s10 =	sld [smem:$0x3FBB]  }
0x39: {  	_ = 	snop;
	(pc) =	sbr.ind lr, $3  }
0x3a: {  	_ = 	snop  }
0x3b: {  	_ = 	snop  }
0x3c: {  	p2 =	seq.s32 s10, $0x1;
	s10 =	sld [smem:$0x3FBA]  }
0x3d: {  	_ =	shalt  }
0x3e: {  	_ =	shalt  }
0x3f: {  	_ =	shalt  }
0x40: {  	_ =	shalt  }
0x41: {  	_ =	shalt  }
0x42: {  	_ =	shalt  }
0x43: {  	_ =	shalt  }
0x44: {  	_ =	shalt  }
0x45: {  	_ =	shalt  }
0x46: {  	_ =	shalt  }
0x47: {  	_ =	shalt  }
0x48: {  	_ =	shalt  }
0x49: {  	_ =	shalt  }
0x4a: {  	_ =	shalt  }
0x4b: {  	_ =	shalt  }
0x4c: {  	_ =	shalt  }
0x4d: {  	_ =	shalt  }
0x4e: {  	_ =	shalt  }
0x4f: {  	_ =	shalt  }
0x50: {  	_ =	shalt  }
0x51: {  	_ =	shalt  }
0x52: {  	_ =	shalt  }
0x53: {  	_ =	shalt  }
0x54: {  	_ =	shalt  }
0x55: {  	_ =	shalt  }
0x56: {  	_ =	shalt  }
0x57: {  	_ =	shalt  }
0x58: {  	_ =	shalt  }
0x59: {  	_ =	shalt  }
0x5a: {  	_ =	shalt  }
0x5b: {  	_ =	shalt  }
0x5c: {  	_ =	shalt  }
0x5d: {  	_ =	shalt  }
0x5e: {  	_ =	shalt  }
0x5f: {  	_ =	shalt  }
0x60: {  	_ =	shalt  }
0x61: {  	_ =	shalt  }
0x62: {  	_ =	shalt  }
0x63: {  	_ =	shalt  }
0x64: {  	_ =	shalt  }
0x65: {  	_ =	shalt  }
0x66: {  	_ =	shalt  }
0x67: {  	_ =	shalt  }
0x68: {  	_ =	shalt  }
0x69: {  	_ =	shalt  }
0x6a: {  	_ =	shalt  }
0x6b: {  	_ =	shalt  }
0x6c: {  	_ =	shalt  }
0x6d: {  	_ =	shalt  }
0x6e: {  	_ =	shalt  }
0x6f: {  	_ =	shalt  }
0x70: {  	_ =	shalt  }
0x71: {  	_ =	shalt  }
0x72: {  	_ =	shalt  }
0x73: {  	_ =	shalt  }
0x74: {  	_ =	shalt  }
0x75: {  	_ =	shalt  }
0x76: {  	_ =	shalt  }
0x77: {  	_ =	shalt  }
0x78: {  	_ =	shalt  }
0x79: {  	_ =	shalt  }
0x7a: {  	_ =	shalt  }
0x7b: {  	_ =	shalt  }
0x7c: {  	_ =	shalt  }
0x7d: {  	_ =	shalt  }
0x7e: {  	_ =	shalt  }
0x7f: {  	_ =	shalt  }
0x80: {  	_ =	shalt  }
0x81: {  	_ =	shalt  }
0x82: {  	_ =	shalt  }
0x83: {  	_ =	shalt  }
0x84: {  	_ =	shalt  }
0x85: {  	_ =	shalt  }
0x86: {  	_ =	shalt  }
0x87: {  	_ =	shalt  }
.Lfunc_end0:
.L_simem_size_0:
called_computation_lowered:
.L_overlay_start_0:
0x88: {  	s2 =	sld [smem:$0x3FD9]  }
0x89: {  	s3 =	sld [smem:$0x3FFE];
	_ =	sdelay $0x1  }
0x8a: {  	s1 =	srdreg.scid  }
0x8b: {  	s0 =	sand.u32 $0x1, s1  }
0x8c: {  	s17 =	sshll.u32 s0, $0xA;
	s2 =	sadd.s32 s3, s2  }
0x8d: {  	s2 =	sadd.s32 s2, s17  }
0x8e: {  	[smem:$0x3FC6] =	sst s2  }
0x8f: {  	_ = 	snop  }
0x90: {  	s2 =	sld [smem:$0x3FC9]  }
0x91: {  	s18 =	sld [smem:$0x3FD0];
	(tm) =	ssettm $0x1  }
0x92: {  	s4 =	sld [smem:$0x3FFB];
	_ =	sdelay $0x3  }
0x93: {  	_ =	strace s4  }
0x94: {  	s4 =	sld [smem:$0x3FFC];
	_ =	sdelay $0x3  }
0x95: {  	_ =	strace s4  }
0x96: {  	s4 =	sld [smem:$0x3FFD];
	_ =	sdelay $0x3  }
0x97: {  	_ =	strace s4  }
0x98: {  	_ =	strace $0x8FFFFFFF  }
0x99: {  	s19 =	sld [smem:$0x3FDB];
	_ =	sdelay $0x1  }
0x9a: {  	s5 =	simm.s32 $_scs_section_size  }
0x9b: {  	s6 =	simm.s32 $_size__tile_overlayer_lowered;
	s7 =	simm.s32 $_tile_overlayer_lowered  }
0x9c: {  	s22 =	simm.s32 $0x1BFF;
	s21 =	sshll.u32 s7, $0x1;
	s4 =	sadd.s32 s5, s19  }
0x9d: {  	s8 =	simm.s32 $0x0;
	s20 =	sshll.u32 s6, $0x1;
	s6 =	sadd.s32 s21, s4  }
0x9e: {  	[timem:s8], [sflag:s22] =	dma.local [hbm:s6], s20  }
0x9f: {  	_ =	swait.ge [sflag:s22], s20  }
0xa0: {  	s5 =	ssub.s32 $0x0, s20;
	[sflag:s22] =	ssyncset.done $0x0  }
0xa1: {  	[sflag:s22] =	ssyncadd.s32 s5;
	_ =	sdelay $0x1  }
0xa2: {  	s23 =	simm.s32 $0x1B8B  }
0xa3: {  	_ =	swait.ge [sflag:s23], $0x1  }
0xa4: {  	[sflag:s23] =	ssyncset.done $0x0  }
0xa5: {  	s25 =	simm.s32 $0x1B8E;
	s24 =	sld [smem:$0x3FFE];
	[sflag:s23] =	ssyncadd.s32 $0xFFFFFFFF  }
0xa6: {  	s26 =	simm.s32 $execute0_lowered;
	[smem:$0x3FD2] =	sst s25  }
0xa7: {  	s6 =	sshll.u32 s26, $0x1;
	_ =	strace $0x80000046;
	[dreg:$0x1] =	wrdreg $0xFFFFFFFF  }
0xa8: {  	s28 =	simm.s32 $_size_execute0_lowered;
	s4 =	sadd.s32 s4, s6;
	[dreg:$0x0] =	wrdreg $0x0  }
0xa9: {  	s6 =	sshll.u32 s28, $0x1;
	[dreg:$0x2] =	wrdreg s4  }
0xaa: {  	[dreg:$0x3] =	wrdreg s6  }
0xab: {  	[dreg:$0x4] =	wrdreg $0xC0  }
0xac: {  	_ =	task [dreg:s8], $0x5FFFF  }
0xad: {  	[dreg:$0x1] =	wrdreg $0xFFFFFFFF  }
0xae: {  	[dreg:$0x0] =	wrdreg $0x60  }
0xaf: {  	[dreg:$0x2] =	wrdreg s18  }
0xb0: {  	[dreg:$0x3] =	wrdreg s24  }
0xb1: {  	[dreg:$0x4] =	wrdreg s2  }
0xb2: {  	[dreg:$0x5] =	wrdreg $0x0  }
0xb3: {  	[dreg:$0x6] =	wrdreg $0x9  }
0xb4: {  	_ =	task.clear_ibuf [dreg:s8], $0x7FFFF;
	_ =	strace $0x90000046  }
0xb5: {  	s29 =	simm.s32 $0x9;
	_ =	strace $0x80000048  }
0xb6: {  	_ =	swait.ge [sflag:s29], $0x1  }
0xb7: {  	[sflag:s29] =	ssyncadd.s32 $0xFFFFFFFF  }
0xb8: {  	_ =	strace $0x90000048  }
0xb9: {  	_ =	sfence  }
0xba: {  	s30 =	sld [smem:$0x0];
	_ =	sdelay $0x2  }
0xbb: {  	s31 =	sshll.u32 s1, $0xD;
	s1 =	sshrl.u32 s1, $0x2  }
0xbc: {  	s3 =	sand.u32 $0x4000, s31;
	s1 =	sadd.s32 s1, s30  }
0xbd: {  	s0 =	sor.u32 s3, s0;
	s1 =	sshll.u32 s1, $0x11  }
0xbe: {  	s0 =	sor.u32 s1, s0  }
0xbf: {  	s0 =	sadd.s32 $0x8F2B, s0  }
0xc0: {  	[sflag:s0] =	ssyncadd.remote.s32 $0x1  }
0xc1: {  	_ =	sfence.sel $0xFFFF  }
0xc2: {  	[dreg:$0x0] =	wrdreg $0xFFFFFFFF;
	(pc) =	sbr.abs _section_cstart, $3  }
0xc3: {  	[dreg:$0x1] =	wrdreg $0xFFFFFFFF  }
0xc4: {  	_ =	task.clear_ibuf [dreg:s8], $0x2FFFF;
	_ =	strace $0x9FFFFFFF  }
0xc5: {  	(tm) =	ssettm $0x7FFFFFFF  }
tec
execute0_lowered:
.L_overlay_start_1:
0x0: {  	(tag) =	ssettag $0x1  }
0x1: {  	s22 =	stileid.u32  }
0x2: {  	s1 =	srdreg.scid;
	s14 =	smul.u32 $0xB000, s22  }
0x3: {  	s0 =	rddreg [dreg:$0x0];
	s12 =	sand.u32 $0x1, s1;
	s6 =	smul.u32 $0x2800, s22  }
0x4: {  	s2 =	rddreg [dreg:$0x1];
	s11 =	sor.u32 $0x10, s22;
	s15 =	smul.u32 $0x138800, s12  }
0x5: {  	s3 =	rddreg [dreg:$0x2];
	s10 =	sor.u32 $0x20, s22;
	s17 =	smul.u32 $0x2800, s11  }
0x6: {  	s4 =	rddreg [dreg:$0x3];
	s9 =	sor.u32 $0x30, s22;
	s19 =	smul.u32 $0x2800, s10  }
0x7: {  	s13 =	sadd.s32 $0xF000, s2;
	s8 =	sor.u32 $0x40, s22;
	s24 =	smul.u32 $0x2800, s9  }
0x8: {  	p0 =	sgt.u32 s22, $0x2;
	p1 =	sgt.u32 s22, $0xC;
	s26 =	smul.u32 $0x2800, s8  }
0x9: {  	s1 =	ssub.s32 $0x2, s12;
	s16 =	sshll.u32 s12, $0x4;
	s12 =	smul.u32 $0x3C000, s12  }
0xa: {  	s5 =	sshrl.u32 s1, $0x1;
	s29 =	sadd.s32 s15, s24;
	s24 =	smul.u32 $0xB000, s9  }
0xb: {  	s5 =	ssub.s32 s1, s5;
	s1 =	sor.u32 $0x50, s22;
	s9 =	smul.u32 $0xA000, s9  }
0xc: {  	s7 =	sadd.s32 s6, s15;
	s6 =	sor.u32 $0x60, s22;
	s30 =	smul.u32 $0x2800, s1  }
0xd: {  	s17 =	sadd.s32 s15, s17;
	s23 =	sadd.s32 s15, s19;
	s20 =	smul.u32 $0x2800, s6  }
0xe: {  	s18 =	sshrl.u32 s7, $0x3;
	s25 =	sshrl.u32 s23, $0x3;
	s23 =	smul.u32 $0xB000, s10  }
0xf: {  	s7 =	sor.u32 $0x70, s22;
	s17 =	sshrl.u32 s17, $0x3;
	s10 =	smul.u32 $0xA000, s10  }
0x10: {  	s18 =	sadd.s32 s13, s18;
	s17 =	sadd.s32 s13, s17;
	s21 =	smul.u32 $0x2800, s7  }
0x11: {  	[dreg:$0x6] =	wrdreg s17;
	s17 =	sadd.s32 s13, s25;
	s25 =	smul.u32 $0xB000, s8  }
0x12: {  	[dreg:$0x5] =	wrdreg s18;
	s18 =	sadd.s32 s15, s26;
	s26 =	smul.u32 $0xB000, s1  }
0x13: {  	s14 =	sshrl.u32 s14, $0x2;
	s19 =	sadd.s32 s15, s30;
	s30 =	smul.u32 $0xB000, s6  }
0x14: {  	s16 =	sor.u32 s22, s16;
	s14 =	sadd.s32 s14, s4;
	s8 =	smul.u32 $0xA000, s8  }
0x15: {  	s9 =	sshrl.u32 s9, $0x2;
	s1 =	smul.u32 $0xA000, s1;
	s10 =	sshrl.u32 s10, $0x2  }
0x16: {  	s6 =	smul.u32 $0xA000, s6;
	s9 =	sadd.s32 s9, s4;
	s18 =	sshrl.u32 s18, $0x3  }
0x17: {  	[dreg:$0x7] =	wrdreg s17;
	s17 =	sshrl.u32 s29, $0x3;
	s31 =	sadd.s32 s13, s18  }
0x18: {  	s18 =	sshrl.u32 s19, $0x3;
	s19 =	sadd.s32 s15, s20;
	s20 =	smul.u32 $0x3C00, s22  }
0x19: {  	s10 =	sadd.s32 s10, s4;
	s15 =	sadd.s32 s15, s21;
	s21 =	smul.u32 $0xB000, s11  }
0x1a: {  	s17 =	sadd.s32 s13, s17;
	s29 =	sshrl.u32 s25, $0x2;
	s11 =	smul.u32 $0xA000, s11  }
0x1b: {  	s8 =	sshrl.u32 s8, $0x2;
	s1 =	sshrl.u32 s1, $0x2;
	[dreg:$0x8] =	wrdreg s17  }
0x1c: {  	s6 =	sshrl.u32 s6, $0x2;
	[dreg:$0x9] =	wrdreg s31;
	s17 =	sadd.s32 s13, s18  }
0x1d: {  	s15 =	sshrl.u32 s15, $0x3;
	s31 =	sadd.s32 s29, s4;
	s18 =	sshrl.u32 s30, $0x2  }
0x1e: {  	s8 =	sadd.s32 s8, s4;
	[dreg:$0xa] =	wrdreg s17;
	s17 =	sshrl.u32 s19, $0x3  }
0x1f: {  	s1 =	sadd.s32 s1, s4;
	s29 =	sadd.s32 s6, s4;
	s17 =	sadd.s32 s13, s17  }
0x20: {  	s12 =	sadd.s32 s20, s12;
	s13 =	sadd.s32 s13, s15;
	[dreg:$0xb] =	wrdreg s17  }
0x21: {  	s15 =	smul.u32 $0x3C00, s16;
	[dreg:$0xc] =	wrdreg s13;
	s13 =	simm.s32 $0x0  }
0x22: {  	s16 =	sshrl.u32 s23, $0x2;
	s17 =	sshrl.u32 s21, $0x2;
	[smem:$0x7FF] =	sst s13  }
0x23: {  	s17 =	sadd.s32 s17, s4;
	_ =	strace $0x80000047;
	[dreg:$0xd] =	wrdreg s14  }
0x24: {  	s19 =	smul.u32 $0xB000, s7;
	s16 =	sadd.s32 s16, s4;
	[dreg:$0xe] =	wrdreg s17  }
0x25: {  	s20 =	sadd.s32 s18, s4;
	s11 =	sshrl.u32 s11, $0x2;
	[dreg:$0xf] =	wrdreg s16  }
0x26: {  	s7 =	smul.u32 $0xA000, s7;
	s18 =	simm.s32 $0x3;
	[dreg:$0x11] =	wrdreg s31  }
0x27: {  	s23 =	smul.u32 $0xA000, s22;
	s11 =	sadd.s32 s11, s4;
	[dreg:$0x13] =	wrdreg s20  }
0x28: {  	s28 =	sadd.s32 $0x400, s12;
	s12 =	simm.s32 $0x1;
	[dreg:$0x18] =	wrdreg s11  }
0x29: {  	s22 =	simm.s32 $0x7;
	s21 =	sshrl.u32 s19, $0x2;
	[dreg:$0x19] =	wrdreg s10  }
0x2a: {  	s7 =	sshrl.u32 s7, $0x2;
	s19 =	simm.s32 $0x5;
	[dreg:$0x1a] =	wrdreg s9  }
0x2b: {  	s15 =	sshrl.u32 s15, $0x3;
	s30 =	sadd.s32 s7, s4;
	[dreg:$0x1b] =	wrdreg s8  }
0x2c: {  	s7 =	simm.s32 $0x14C40;
	s14 =	sshrl.u32 s24, $0x2;
	[dreg:$0x1c] =	wrdreg s1  }
0x2d: {  	s17 =	sshrl.u32 s26, $0x2;
	s24 =	sadd.s32 s0, s15;
	[dreg:$0x1d] =	wrdreg s29  }
0x2e: {  	s25 =	sadd.s32 s2, s15;
	s26 =	sshrl.u32 s23, $0x2;
	[dreg:$0x1e] =	wrdreg s30  }
0x2f: {  	s31 =	smax.u32 s5, $0x1;
	s8 =	simm.s32 $0xC;
	s10 =	simm.s32 $0x58  }
0x30: {  	s11 =	simm.s32 $0x17840;
	s15 =	simm.s32 $0x1A440;
	[dreg:$0x15] =	wrdreg s24  }
0x31: {  	s16 =	simm.s32 $0x2;
	s20 =	simm.s32 $0x4;
	[dreg:$0x16] =	wrdreg s25  }
0x32: {  	s23 =	simm.s32 $0x8;
	s14 =	sadd.s32 s14, s4;
	[dreg:$0x1f] =	wrdreg s31  }
0x33: {  	s24 =	simm.s32 $0xA;
	[dreg:$0x10] =	wrdreg s14;
	s14 =	sadd.s32 s17, s4  }
0x34: {  	s25 =	simm.s32 $0xB;
	[dreg:$0x12] =	wrdreg s14;
	s14 =	sadd.s32 s21, s4  }
0x35: {  	s17 =	simm.s32 $0x1D040;
	[dreg:$0x14] =	wrdreg s14;
	s14 =	sadd.s32 s26, s4  }
0x36: {  	v0 =	vimm.f32 $0.0e+00;
	s21 =	simm.s32 $0x6;
	s26 =	simm.s32 $0x0;
	[dreg:$0x17] =	wrdreg s14  }
.LBB2_1:
0x37: {  	s6 =	simm.s32 $0x0;
	s29 =	simm.s32 $0x200  }
.LBB2_2:
0x38: {  	p2 =	sne.s32 s29, $0xAE00;
	[tilespmem:s6+$0x14CB0] =	vst v0  }
0x39: {  	[tilespmem:s6+$0x14C40] =	vst v0  }
0x3a: {  	[tilespmem:s6+$0x14C50] =	vst v0  }
.Ltmp0:
0x3b: {  	[tilespmem:s6+$0x14C60] =	vst v0;
	(pc) =	sbr.rel @p2 .LBB2_2-.Ltmp0, $4  }
0x3c: {  	[tilespmem:s6+$0x14C70] =	vst v0  }
0x3d: {  	[tilespmem:s6+$0x14C80] =	vst v0  }
0x3e: {  	[tilespmem:s6+$0x14C90] =	vst v0  }
0x3f: {  	[tilespmem:s6+$0x14CA0] =	vst v0;
	s6 =	sshra.s32 s29, $0x2;
	s29 =	sadd.s32 $0x200, s29  }
0x40: {  	[tilespmem:s6+$0x14CB0] =	vst v0  }
0x41: {  	[tilespmem:s6+$0x14C40] =	vst v0  }
0x42: {  	[tilespmem:s6+$0x14C50] =	vst v0  }
0x43: {  	[tilespmem:s6+$0x14C60] =	vst v0  }
0x44: {  	[tilespmem:s6+$0x14C70] =	vst v0  }
0x45: {  	[tilespmem:s6+$0x14C80] =	vst v0  }
0x46: {  	[tilespmem:s6+$0x14C90] =	vst v0  }
0x47: {  	[tilespmem:s6+$0x14CA0] =	vst v0;
	s1 =	rddreg [dreg:$0xd]  }
0x48: {  	[spmem:s1] =	stream.linear.scatter [tilespmem:s7], [sflag:$0xC], $0x2C00, $0x38;
	[tilespmem:$0x1FC40] =	vst v63  }
0x49: {  	_ =	swait.ge [sflag:s8], $0x2C00  }
0x4a: {  	[sflag:s8] =	ssyncset.done $0x0  }
0x4b: {  	s9 =	rddreg [dreg:$0xe];
	[sflag:s8] =	ssyncadd.s32 $0xFFFFD400  }
0x4c: {  	[spmem:s9] =	stream.linear.scatter [tilespmem:s7], [sflag:$0xC], $0x2C00, $0x38;
	[tilespmem:$0x1FC40] =	vst v63  }
0x4d: {  	_ =	swait.ge [sflag:s8], $0x2C00  }
0x4e: {  	[sflag:s8] =	ssyncset.done $0x0  }
0x4f: {  	s14 =	rddreg [dreg:$0xf];
	[sflag:s8] =	ssyncadd.s32 $0xFFFFD400  }
0x50: {  	[spmem:s14] =	stream.linear.scatter [tilespmem:s7], [sflag:$0xC], $0x2C00, $0x38;
	[tilespmem:$0x1FC40] =	vst v63  }
0x51: {  	_ =	swait.ge [sflag:s8], $0x2C00  }
0x52: {  	[sflag:s8] =	ssyncset.done $0x0  }
0x53: {  	s30 =	rddreg [dreg:$0x10];
	[sflag:s8] =	ssyncadd.s32 $0xFFFFD400  }
0x54: {  	[spmem:s30] =	stream.linear.scatter [tilespmem:s7], [sflag:$0xC], $0x2C00, $0x38;
	[tilespmem:$0x1FC40] =	vst v63  }
0x55: {  	_ =	swait.ge [sflag:s8], $0x2C00  }
0x56: {  	[sflag:s8] =	ssyncset.done $0x0  }
0x57: {  	s31 =	rddreg [dreg:$0x11];
	[sflag:s8] =	ssyncadd.s32 $0xFFFFD400  }
0x58: {  	[spmem:s31] =	stream.linear.scatter [tilespmem:s7], [sflag:$0xC], $0x2C00, $0x38;
	[tilespmem:$0x1FC40] =	vst v63  }
0x59: {  	_ =	swait.ge [sflag:s8], $0x2C00  }
0x5a: {  	[sflag:s8] =	ssyncset.done $0x0  }
0x5b: {  	s5 =	rddreg [dreg:$0x12];
	[sflag:s8] =	ssyncadd.s32 $0xFFFFD400  }
0x5c: {  	[spmem:s5] =	stream.linear.scatter [tilespmem:s7], [sflag:$0xC], $0x2C00, $0x38;
	[tilespmem:$0x1FC40] =	vst v63  }
0x5d: {  	_ =	swait.ge [sflag:s8], $0x2C00  }
0x5e: {  	[sflag:s8] =	ssyncset.done $0x0  }
0x5f: {  	s6 =	rddreg [dreg:$0x13];
	[sflag:s8] =	ssyncadd.s32 $0xFFFFD400  }
0x60: {  	[spmem:s6] =	stream.linear.scatter [tilespmem:s7], [sflag:$0xC], $0x2C00, $0x38;
	[tilespmem:$0x1FC40] =	vst v63  }
0x61: {  	_ =	swait.ge [sflag:s8], $0x2C00  }
0x62: {  	[sflag:s8] =	ssyncset.done $0x0  }
0x63: {  	s6 =	simm.s32 @!p0 $0x14C40;
	s1 =	rddreg [dreg:$0x14];
	[sflag:s8] =	ssyncadd.s32 $0xFFFFD400  }
0x64: {  	[spmem:s1] =	stream.linear.scatter @!p0 [tilespmem:s6], [sflag:$0xC], $0x2C00, $0x38;
	[tilespmem:$0x1FC40] =	vst v63  }
0x65: {  	s6 =	simm.s32 @!p0 $0xC  }
0x66: {  	_ =	swait.ge @!p0 [sflag:s6], $0x2C00  }
0x67: {  	s29 =	simm.s32 $0x0;
	[sflag:s6] =	ssyncset.done @!p0 $0x0  }
0x68: {  	s5 =	simm.s32 $0x13C40;
	s9 =	rddreg [dreg:$0x15];
	[sflag:s6] =	ssyncadd.s32 @!p0 $0xFFFFD400  }
0x69: {  	[tilespmem:s5], [sflag:$0xC] =	stream.linear.gather [hbm4b:s9+s29], $0x400, $0x38;
	[tilespmem:$0x1FC40] =	vst v63  }
0x6a: {  	_ =	swait.ge [sflag:s8], $0x400  }
0x6b: {  	[sflag:s8] =	ssyncset.done $0x0  }
0x6c: {  	s30 =	simm.s32 $0x14440;
	s14 =	rddreg [dreg:$0x16];
	[sflag:s8] =	ssyncadd.s32 $0xFFFFFC00  }
0x6d: {  	[tilespmem:s30], [sflag:$0xC] =	stream.linear.gather [hbm4b:s14+s29], $0x400, $0x38;
	[tilespmem:$0x1FC40] =	vst v63  }
0x6e: {  	_ =	swait.ge [sflag:s8], $0x400  }
0x6f: {  	[sflag:s8] =	ssyncset.done $0x0  }
0x70: {  	[sflag:s8] =	ssyncadd.s32 $0xFFFFFC00  }
0x71: {  	[bflag:$0x0] =	sbarrier.arrive $0xFFFF  }
0x72: {  	[tilespmem:s7], [sflag:$0x1] =	stream.indirect.gather [hbm4b:s3+s10], $0x80, s5, s10, $0xb8;
	[tilespmem:$0x1FC40] =	vst v63  }
0x73: {  	s31 =	simm.s32 $0x13CC0;
	s6 =	smov.u32 s28  }
0x74: {  	[tilespmem:s11], [sflag:$0x2] =	stream.indirect.gather [hbm4b:s3+s10], $0x80, s31, s10, $0xb8;
	[tilespmem:$0x1FC40] =	vst v63  }
.LBB2_4:
0x75: {  	s30 =	sshll.u32 s29, $0xA;
	_ =	swait.ge [sflag:s12], $0x2C00  }
0x76: {  	s30 =	sand.u32 $0x400, s30;
	[sflag:s12] =	ssyncset.done $0x0  }
0x77: {  	p2 =	seq.s32 s29, $0x0;
	[sflag:s12] =	ssyncadd.s32 $0xFFFFD400;
	s31 =	sadd.s32 $0x14440, s30  }
0x78: {  	[spmem:s4] =	stream.indirect.scatter.add.f32 [tilespmem:s7], [sflag:$0x5], $0x80, s31, s10, $0xb8;
	[tilespmem:$0x1FC40] =	vst v63  }
0x79: {  	s31 =	simm.s32 @!p2 $0x7  }
0x7a: {  	_ =	swait.ge @!p2 [sflag:s31], $0x2C00  }
0x7b: {  	[sflag:s31] =	ssyncset.done @!p2 $0x0  }
0x7c: {  	s5 =	sadd.s32 $0x13D40, s30;
	[sflag:s31] =	ssyncadd.s32 @!p2 $0xFFFFD400  }
0x7d: {  	[tilespmem:s15], [sflag:$0x3] =	stream.indirect.gather [hbm4b:s3+s10], $0x80, s5, s10, $0xb8;
	[tilespmem:$0x1FC40] =	vst v63  }
0x7e: {  	_ =	swait.ge [sflag:s16], $0x2C00  }
0x7f: {  	[sflag:s16] =	ssyncset.done $0x0  }
0x80: {  	s14 =	simm.s32 @!p2 $0x8;
	s9 =	sadd.s32 $0x144C0, s30;
	[sflag:s16] =	ssyncadd.s32 $0xFFFFD400  }
0x81: {  	[spmem:s4] =	stream.indirect.scatter.add.f32 [tilespmem:s11], [sflag:$0x6], $0x80, s9, s10, $0xb8;
	[tilespmem:$0x1FC40] =	vst v63  }
0x82: {  	p3 =	seq.s32 @!p2 s29, $0xE;
	s29 =	sadd.s32 $0x1, s29;
	_ =	swait.ge @!p2 [sflag:s14], $0x2C00  }
0x83: {  	p3 =	por p2, !p3;
	s31 =	sand.u32 $0x1, s29;
	[sflag:s14] =	ssyncset.done @!p2 $0x0  }
0x84: {  	s1 =	sshrl.u32 @p3 s6, $0x3;
	[sflag:s14] =	ssyncadd.s32 @!p2 $0xFFFFD400;
	s14 =	sshll.u32 @p3 s31, $0xA  }
0x85: {  	s9 =	sadd.s32 @p3 s0, s1;
	s5 =	sadd.s32 @p3 $0x13C40, s14  }
0x86: {  	[tilespmem:s5], [sflag:$0x9] =	stream.linear.gather @p3 [hbm4b:s9+s13], $0x400, $0x38;
	[tilespmem:$0x1FC40] =	vst v63  }
0x87: {  	s1 =	sadd.s32 @p3 s2, s1;
	s5 =	sadd.s32 @p3 $0x14440, s14  }
0x88: {  	[tilespmem:s5], [sflag:$0x9] =	stream.linear.gather @p3 [hbm4b:s1+s13], $0x400, $0x38;
	[tilespmem:$0x1FC40] =	vst v63  }
0x89: {  	s14 =	sadd.s32 $0x13DC0, s30  }
0x8a: {  	[tilespmem:s17], [sflag:$0x4] =	stream.indirect.gather [hbm4b:s3+s10], $0x80, s14, s10, $0xb8;
	[tilespmem:$0x1FC40] =	vst v63  }
0x8b: {  	_ =	swait.ge [sflag:s18], $0x2C00  }
0x8c: {  	s5 =	sor.u32 $0x100, s30;
	[sflag:s18] =	ssyncset.done $0x0  }
0x8d: {  	s1 =	sadd.s32 $0x14440, s5;
	[sflag:s18] =	ssyncadd.s32 $0xFFFFD400  }
0x8e: {  	[spmem:s4] =	stream.indirect.scatter.add.f32 [tilespmem:s15], [sflag:$0x7], $0x80, s1, s10, $0xb8;
	[tilespmem:$0x1FC40] =	vst v63  }
0x8f: {  	_ =	swait.ge [sflag:s19], $0x2C00  }
0x90: {  	[sflag:s19] =	ssyncset.done $0x0  }
0x91: {  	s9 =	sadd.s32 $0x13E40, s30;
	[sflag:s19] =	ssyncadd.s32 $0xFFFFD400  }
0x92: {  	[tilespmem:s7], [sflag:$0x1] =	stream.indirect.gather [hbm4b:s3+s10], $0x80, s9, s10, $0xb8;
	[tilespmem:$0x1FC40] =	vst v63  }
0x93: {  	_ =	swait.ge [sflag:s20], $0x2C00  }
0x94: {  	[sflag:s20] =	ssyncset.done $0x0  }
0x95: {  	s14 =	sadd.s32 $0x145C0, s30;
	[sflag:s20] =	ssyncadd.s32 $0xFFFFD400  }
0x96: {  	[spmem:s4] =	stream.indirect.scatter.add.f32 [tilespmem:s17], [sflag:$0x8], $0x80, s14, s10, $0xb8;
	[tilespmem:$0x1FC40] =	vst v63  }
0x97: {  	_ =	swait.ge [sflag:s21], $0x2C00  }
0x98: {  	[sflag:s21] =	ssyncset.done $0x0  }
0x99: {  	s5 =	sadd.s32 $0x13EC0, s30;
	[sflag:s21] =	ssyncadd.s32 $0xFFFFD400  }
0x9a: {  	[tilespmem:s11], [sflag:$0x2] =	stream.indirect.gather [hbm4b:s3+s10], $0x80, s5, s10, $0xb8;
	[tilespmem:$0x1FC40] =	vst v63  }
0x9b: {  	_ =	swait.ge [sflag:s12], $0x2C00  }
0x9c: {  	[sflag:s12] =	ssyncset.done $0x0  }
0x9d: {  	s9 =	sadd.s32 $0x14640, s30;
	[sflag:s12] =	ssyncadd.s32 $0xFFFFD400  }
0x9e: {  	[spmem:s4] =	stream.indirect.scatter.add.f32 [tilespmem:s7], [sflag:$0x5], $0x80, s9, s10, $0xb8;
	[tilespmem:$0x1FC40] =	vst v63  }
0x9f: {  	_ =	swait.ge [sflag:s22], $0x2C00  }
0xa0: {  	[sflag:s22] =	ssyncset.done $0x0  }
0xa1: {  	s14 =	sadd.s32 $0x13F40, s30;
	[sflag:s22] =	ssyncadd.s32 $0xFFFFD400  }
0xa2: {  	[tilespmem:s15], [sflag:$0x3] =	stream.indirect.gather [hbm4b:s3+s10], $0x80, s14, s10, $0xb8;
	[tilespmem:$0x1FC40] =	vst v63  }
0xa3: {  	_ =	swait.ge [sflag:s16], $0x2C00  }
0xa4: {  	[sflag:s16] =	ssyncset.done $0x0  }
0xa5: {  	s5 =	sadd.s32 $0x146C0, s30;
	[sflag:s16] =	ssyncadd.s32 $0xFFFFD400  }
0xa6: {  	[spmem:s4] =	stream.indirect.scatter.add.f32 [tilespmem:s11], [sflag:$0x6], $0x80, s5, s10, $0xb8;
	[tilespmem:$0x1FC40] =	vst v63  }
0xa7: {  	_ =	swait.ge [sflag:s23], $0x2C00  }
0xa8: {  	[sflag:s23] =	ssyncset.done $0x0  }
0xa9: {  	s9 =	sadd.s32 $0x13FC0, s30;
	[sflag:s23] =	ssyncadd.s32 $0xFFFFD400  }
0xaa: {  	[tilespmem:s17], [sflag:$0x4] =	stream.indirect.gather [hbm4b:s3+s10], $0x80, s9, s10, $0xb8;
	[tilespmem:$0x1FC40] =	vst v63  }
0xab: {  	_ =	swait.ge [sflag:s18], $0x2C00  }
0xac: {  	[sflag:s18] =	ssyncset.done $0x0  }
0xad: {  	s14 =	sadd.s32 $0x14740, s30;
	[sflag:s18] =	ssyncadd.s32 $0xFFFFD400  }
0xae: {  	[spmem:s4] =	stream.indirect.scatter.add.f32 [tilespmem:s15], [sflag:$0x7], $0x80, s14, s10, $0xb8;
	[tilespmem:$0x1FC40] =	vst v63  }
0xaf: {  	p2 =	por @!p2 $0x1, $0x1;
	_ =	swait.ge [sflag:s19], $0x2C00  }
0xb0: {  	p2 =	por @p3 $0x0, $0x0;
	[sflag:s19] =	ssyncset.done $0x0  }
0xb1: {  	s1 =	simm.s32 @p2 $0x4;
	[sflag:s19] =	ssyncadd.s32 $0xFFFFD400  }
0xb2: {  	_ =	swait.ge @p2 [sflag:s1], $0x2C00  }
0xb3: {  	s5 =	sor.u32 $0x380, s30;
	s9 =	simm.s32 @p2 $0x58;
	[sflag:s1] =	ssyncset.done @p2 $0x0  }
0xb4: {  	s14 =	simm.s32 @p2 $0x1D040;
	[sflag:s1] =	ssyncadd.s32 @p2 $0xFFFFD400;
	s1 =	sadd.s32 @p2 $0x14440, s5  }
0xb5: {  	[spmem:s4] =	stream.indirect.scatter.add.f32 @p2 [tilespmem:s14], [sflag:$0x8], $0x80, s1, s9, $0xb8;
	[tilespmem:$0x1FC40] =	vst v63  }
0xb6: {  	s1 =	simm.s32 @p2 $0x6  }
0xb7: {  	_ =	swait.ge @p2 [sflag:s1], $0x2C00  }
0xb8: {  	[sflag:s1] =	ssyncset.done @p2 $0x0  }
0xb9: {  	[sflag:s1] =	ssyncadd.s32 @p2 $0xFFFFD400;
	s1 =	simm.s32 @!p2 $0x9  }
0xba: {  	_ =	swait.ge @!p2 [sflag:s1], $0x400  }
0xbb: {  	[sflag:s1] =	ssyncset.done @!p2 $0x0  }
0xbc: {  	[sflag:s1] =	ssyncadd.s32 @!p2 $0xFFFFFC00  }
0xbd: {  	_ =	swait.ge @!p2 [sflag:s1], $0x400  }
0xbe: {  	[sflag:s1] =	ssyncset.done @!p2 $0x0  }
0xbf: {  	[sflag:s1] =	ssyncadd.s32 @!p2 $0xFFFFFC00;
	s1 =	sshll.u32 @!p2 s31, $0xA  }
0xc0: {  	s30 =	simm.s32 @!p2 $0x14C40;
	s14 =	simm.s32 @!p2 $0x58;
	s9 =	sadd.s32 @!p2 $0x13C40, s1  }
0xc1: {  	[tilespmem:s30], [sflag:$0x1] =	stream.indirect.gather @!p2 [hbm4b:s3+s14], $0x80, s9, s14, $0xb8;
	[tilespmem:$0x1FC40] =	vst v63  }
0xc2: {  	s9 =	simm.s32 @!p2 $0x4  }
0xc3: {  	_ =	swait.ge @!p2 [sflag:s9], $0x2C00  }
0xc4: {  	[sflag:s9] =	ssyncset.done @!p2 $0x0  }
0xc5: {  	s5 =	sadd.s32 @!p2 $0x14440, s5;
	[sflag:s9] =	ssyncadd.s32 @!p2 $0xFFFFD400;
	s9 =	simm.s32 @!p2 $0x1D040  }
0xc6: {  	[spmem:s4] =	stream.indirect.scatter.add.f32 @!p2 [tilespmem:s9], [sflag:$0x8], $0x80, s5, s14, $0xb8;
	[tilespmem:$0x1FC40] =	vst v63  }
0xc7: {  	s5 =	simm.s32 @!p2 $0x6  }
0xc8: {  	_ =	swait.ge @!p2 [sflag:s5], $0x2C00  }
0xc9: {  	[sflag:s5] =	ssyncset.done @!p2 $0x0  }
0xca: {  	s1 =	sadd.s32 @!p2 $0x13CC0, s1;
	[sflag:s5] =	ssyncadd.s32 @!p2 $0xFFFFD400;
	s5 =	simm.s32 @!p2 $0x17840  }
0xcb: {  	[tilespmem:s5], [sflag:$0x2] =	stream.indirect.gather @!p2 [hbm4b:s3+s14], $0x80, s1, s14, $0xb8;
	[tilespmem:$0x1FC40] =	vst v63  }
0xcc: {  	p2 =	sne.s32 s29, $0xF  }
.Ltmp1:
0xcd: {  	_ = 	snop;
	(pc) =	sbr.rel @p2 .LBB2_4-.Ltmp1, $2  }
0xce: {  	_ =	sdelay $0x2  }
0xcf: {  	s6 =	sadd.s32 $0x400, s6  }
0xd0: {  	_ =	swait.ge [sflag:s22], $0x2C00  }
0xd1: {  	[sflag:s22] =	ssyncset.done $0x0  }
0xd2: {  	[sflag:s22] =	ssyncadd.s32 $0xFFFFD400  }
0xd3: {  	_ =	swait.ge [sflag:s23], $0x2C00  }
0xd4: {  	[sflag:s23] =	ssyncset.done $0x0  }
0xd5: {  	[sflag:s23] =	ssyncadd.s32 $0xFFFFD400  }
0xd6: {  	[bflag:$0x0] =	sbarrier.arrive $0xFFFF  }
0xd7: {  	s1 =	rddreg [dreg:$0x17]  }
0xd8: {  	[tilespmem:s7], [sflag:$0xC] =	stream.linear.gather [spmem:s1], $0x2800, $0x38;
	[tilespmem:$0x1FC40] =	vst v63  }
0xd9: {  	_ =	swait.ge [sflag:s8], $0x2800  }
0xda: {  	[sflag:s8] =	ssyncset.done $0x0  }
0xdb: {  	s5 =	rddreg [dreg:$0x5];
	[sflag:s8] =	ssyncadd.s32 $0xFFFFD800  }
0xdc: {  	[hbm4b:s5+s13] =	stream.linear.scatter [tilespmem:s7], [sflag:$0xA], $0x2800, $0x38;
	[tilespmem:$0x1FC40] =	vst v63  }
0xdd: {  	s6 =	rddreg [dreg:$0x18]  }
0xde: {  	[tilespmem:s11], [sflag:$0xC] =	stream.linear.gather [spmem:s6], $0x2800, $0x38;
	[tilespmem:$0x1FC40] =	vst v63  }
0xdf: {  	_ =	swait.ge [sflag:s8], $0x2800  }
0xe0: {  	[sflag:s8] =	ssyncset.done $0x0  }
0xe1: {  	s9 =	rddreg [dreg:$0x6];
	[sflag:s8] =	ssyncadd.s32 $0xFFFFD800  }
0xe2: {  	[hbm4b:s9+s13] =	stream.linear.scatter [tilespmem:s11], [sflag:$0xB], $0x2800, $0x38;
	[tilespmem:$0x1FC40] =	vst v63  }
0xe3: {  	_ =	swait.ge [sflag:s24], $0x2800  }
0xe4: {  	[sflag:s24] =	ssyncset.done $0x0  }
0xe5: {  	s14 =	rddreg [dreg:$0x19];
	[sflag:s24] =	ssyncadd.s32 $0xFFFFD800  }
0xe6: {  	[tilespmem:s7], [sflag:$0xC] =	stream.linear.gather [spmem:s14], $0x2800, $0x38;
	[tilespmem:$0x1FC40] =	vst v63  }
0xe7: {  	_ =	swait.ge [sflag:s8], $0x2800  }
0xe8: {  	[sflag:s8] =	ssyncset.done $0x0  }
0xe9: {  	s29 =	rddreg [dreg:$0x7];
	[sflag:s8] =	ssyncadd.s32 $0xFFFFD800  }
0xea: {  	[hbm4b:s29+s13] =	stream.linear.scatter [tilespmem:s7], [sflag:$0xA], $0x2800, $0x38;
	[tilespmem:$0x1FC40] =	vst v63  }
0xeb: {  	_ =	swait.ge [sflag:s25], $0x2800  }
0xec: {  	[sflag:s25] =	ssyncset.done $0x0  }
0xed: {  	s30 =	rddreg [dreg:$0x1a];
	[sflag:s25] =	ssyncadd.s32 $0xFFFFD800  }
0xee: {  	[tilespmem:s11], [sflag:$0xC] =	stream.linear.gather [spmem:s30], $0x2800, $0x38;
	[tilespmem:$0x1FC40] =	vst v63  }
0xef: {  	_ =	swait.ge [sflag:s8], $0x2800  }
0xf0: {  	[sflag:s8] =	ssyncset.done $0x0  }
0xf1: {  	s31 =	rddreg [dreg:$0x8];
	[sflag:s8] =	ssyncadd.s32 $0xFFFFD800  }
0xf2: {  	[hbm4b:s31+s13] =	stream.linear.scatter [tilespmem:s11], [sflag:$0xB], $0x2800, $0x38;
	[tilespmem:$0x1FC40] =	vst v63  }
0xf3: {  	_ =	swait.ge [sflag:s24], $0x2800  }
0xf4: {  	[sflag:s24] =	ssyncset.done $0x0  }
0xf5: {  	s5 =	rddreg [dreg:$0x1b];
	[sflag:s24] =	ssyncadd.s32 $0xFFFFD800  }
0xf6: {  	[tilespmem:s7], [sflag:$0xC] =	stream.linear.gather [spmem:s5], $0x2800, $0x38;
	[tilespmem:$0x1FC40] =	vst v63  }
0xf7: {  	_ =	swait.ge [sflag:s8], $0x2800  }
0xf8: {  	[sflag:s8] =	ssyncset.done $0x0  }
0xf9: {  	s6 =	rddreg [dreg:$0x9];
	[sflag:s8] =	ssyncadd.s32 $0xFFFFD800  }
0xfa: {  	[hbm4b:s6+s13] =	stream.linear.scatter [tilespmem:s7], [sflag:$0xA], $0x2800, $0x38;
	[tilespmem:$0x1FC40] =	vst v63  }
0xfb: {  	_ =	swait.ge [sflag:s25], $0x2800  }
0xfc: {  	[sflag:s25] =	ssyncset.done $0x0  }
0xfd: {  	s9 =	rddreg [dreg:$0x1c];
	[sflag:s25] =	ssyncadd.s32 $0xFFFFD800  }
0xfe: {  	[tilespmem:s11], [sflag:$0xC] =	stream.linear.gather [spmem:s9], $0x2800, $0x38;
	[tilespmem:$0x1FC40] =	vst v63  }
0xff: {  	_ =	swait.ge [sflag:s8], $0x2800  }
0x100: {  	[sflag:s8] =	ssyncset.done $0x0  }
0x101: {  	s14 =	rddreg [dreg:$0xa];
	[sflag:s8] =	ssyncadd.s32 $0xFFFFD800  }
0x102: {  	[hbm4b:s14+s13] =	stream.linear.scatter [tilespmem:s11], [sflag:$0xB], $0x2800, $0x38;
	[tilespmem:$0x1FC40] =	vst v63  }
0x103: {  	_ =	swait.ge [sflag:s24], $0x2800  }
0x104: {  	[sflag:s24] =	ssyncset.done $0x0  }
0x105: {  	s29 =	rddreg [dreg:$0x1d];
	[sflag:s24] =	ssyncadd.s32 $0xFFFFD800  }
0x106: {  	[tilespmem:s7], [sflag:$0xC] =	stream.linear.gather [spmem:s29], $0x2800, $0x38;
	[tilespmem:$0x1FC40] =	vst v63  }
0x107: {  	_ =	swait.ge [sflag:s8], $0x2800  }
0x108: {  	[sflag:s8] =	ssyncset.done $0x0  }
0x109: {  	s1 =	simm.s32 @!p1 $0xB;
	s30 =	rddreg [dreg:$0xb];
	[sflag:s8] =	ssyncadd.s32 $0xFFFFD800  }
0x10a: {  	[hbm4b:s30+s13] =	stream.linear.scatter [tilespmem:s7], [sflag:$0xA], $0x2800, $0x38;
	[tilespmem:$0x1FC40] =	vst v63  }
0x10b: {  	_ =	swait.ge @!p1 [sflag:s1], $0x2800  }
0x10c: {  	[sflag:s1] =	ssyncset.done @!p1 $0x0  }
0x10d: {  	s5 =	rddreg [dreg:$0x1e];
	[sflag:s1] =	ssyncadd.s32 @!p1 $0xFFFFD800;
	s1 =	simm.s32 @!p1 $0x17840  }
0x10e: {  	[tilespmem:s1], [sflag:$0xC] =	stream.linear.gather @!p1 [spmem:s5], $0x2800, $0x38;
	[tilespmem:$0x1FC40] =	vst v63  }
0x10f: {  	s5 =	simm.s32 @!p1 $0xC  }
0x110: {  	_ =	swait.ge @!p1 [sflag:s5], $0x2800  }
0x111: {  	[sflag:s5] =	ssyncset.done @!p1 $0x0  }
0x112: {  	s6 =	rddreg [dreg:$0xc];
	[sflag:s5] =	ssyncadd.s32 @!p1 $0xFFFFD800;
	s5 =	simm.s32 @!p1 $0x0  }
0x113: {  	[hbm4b:s6+s5] =	stream.linear.scatter @!p1 [tilespmem:s1], [sflag:$0xB], $0x2800, $0x38;
	[tilespmem:$0x1FC40] =	vst v63  }
0x114: {  	_ =	swait.ge [sflag:s24], $0x2800  }
0x115: {  	[sflag:s24] =	ssyncset.done $0x0  }
0x116: {  	[sflag:s24] =	ssyncadd.s32 $0xFFFFD800  }
0x117: {  	_ =	swait.ge [sflag:s25], $0x2800  }
0x118: {  	s26 =	sadd.s32 $0x1, s26;
	s31 =	rddreg [dreg:$0x1f]  }
0x119: {  	p2 =	sne.s32 s26, s31  }
.Ltmp2:
0x11a: {  	_ = 	snop;
	(pc) =	sbr.rel @p2 .LBB2_1-.Ltmp2, $3  }
0x11b: {  	_ =	sdelay $0x1  }
0x11c: {  	[sflag:s25] =	ssyncset.done $0x0  }
0x11d: {  	[sflag:s25] =	ssyncadd.s32 $0xFFFFD800  }
0x11e: {  	_ =	sfence.sel $0x180000  }
0x11f: {  	[bflag:$0x0] =	sbarrier.arrive $0xFFFF  }
0x120: {  	_ =	strace $0x90000047  }
0x121: {  	s0 =	stileid.u32;
	[bflag:$0x2] =	sbarrier.arrive $0xFFFF  }
0x122: {  	p0 =	sne.s32 s0, $0x0;
	s0 =	rddreg [dreg:$0x4]  }
0x123: {  	s0 =	sadd.s32 @!p0 $0x100000, s0  }
0x124: {  	[sflag:s0] =	ssyncadd.tile.s32 @!p0 $0x1;
	_ =	shalt  }
.Lfunc_end2:
_tile_overlayer_lowered:
.L_overlay_start_2:
0x125: {  	(tag) =	ssettag $0x2  }
0x126: {  	s0 =	rddreg [dreg:$0x0];
	s2 =	stileid.u32  }
0x127: {  	s1 =	rddreg [dreg:$0x1];
	p0 =	sne.s32 s2, $0x0  }
0x128: {  	s3 =	rddreg [dreg:$0x2];
	[bflag:$0x3] =	sbarrier.arrive $0xFFFF;
	s2 =	simm.s32 @!p0 $0x1C0C  }
0x129: {  	[timem:s3], [sflag:s2] =	dma.local @!p0 [hbm:s0], s1  }
0x12a: {  	s0 =	simm.s32 @!p0 $0xC  }
0x12b: {  	_ =	swait.ge @!p0 [sflag:s0], s1  }
0x12c: {  	s1 =	ssub.s32 @!p0 $0x0, s1;
	[sflag:s0] =	ssyncset.done @!p0 $0x0  }
0x12d: {  	[sflag:s0] =	ssyncadd.s32 @!p0 s1  }
0x12e: {  	[bflag:$0x3] =	sbarrier.arrive $0xFFFF  }
0x12f: {  	_ =	shalt  }

</sc_bundles>
